<compile_context>
chip_gen: v7x
topology: tpu7x:2x2x1
jax: 0.10.2.dev20260603
libtpu: 0.0.44.dev20260713+nightly
codegen_flags: <defaults>
</compile_context>

<pallas_src>
import functools

import jax
import jax.numpy as jnp
from jax import lax
from jax.experimental import pallas as pl
from jax.experimental.pallas import tpu as pltpu
from jax.experimental.pallas import tpu_sc as plsc

N_DET = 5000
N_CLS = 81
M = 14
P = 196
N_PAD = 5120
NB = 512
BK = 512
THRESH = 0.5


def _select_body(l_ref, r_ref, lab_ref, ol_ref, or_ref):
    lab = lab_ref[...]
    cio = lax.broadcasted_iota(jnp.int32, (N_CLS, 1), 0)
    onehot = lab == cio
    for x in range(M):
        lsel = jnp.sum(jnp.where(onehot, l_ref[0, x], 0.0),
                       axis=0, keepdims=True)
        rsel = jnp.sum(jnp.where(onehot, r_ref[0, x], 0.0),
                       axis=0, keepdims=True)
        ol_ref[0, pl.ds(x, 1), :] = lsel
        or_ref[0, pl.ds(x, 1), :] = rsel


def _select(lt, rt, labels_pad):
    return pl.pallas_call(
        _select_body,
        grid=(N_PAD // NB, M),
        in_specs=[
            pl.BlockSpec((1, M, N_CLS, NB), lambda b, y: (y, 0, 0, b)),
            pl.BlockSpec((1, M, N_CLS, NB), lambda b, y: (y, 0, 0, b)),
            pl.BlockSpec((1, NB), lambda b, y: (0, b)),
        ],
        out_specs=[
            pl.BlockSpec((1, M, NB), lambda b, y: (y, 0, b)),
            pl.BlockSpec((1, M, NB), lambda b, y: (y, 0, b)),
        ],
        out_shape=(
            jax.ShapeDtypeStruct((M, M, N_PAD), jnp.float32),
            jax.ShapeDtypeStruct((M, M, N_PAD), jnp.float32),
        ),
    )(lt, rt, labels_pad)


def _build_sc_gather():
    info = plsc.get_sparse_core_info()
    nc, ns = info.num_cores, info.num_subcores
    nw = nc * ns
    rpw = N_PAD // nw
    mesh = plsc.VectorSubcoreMesh(core_axis_name="c", subcore_axis_name="s")

    @functools.partial(
        pl.kernel,
        out_type=(
            jax.ShapeDtypeStruct((N_PAD, P), jnp.float32),
            jax.ShapeDtypeStruct((N_PAD, P), jnp.float32),
        ),
        mesh=mesh,
        scratch_types=[
            pltpu.VMEM((rpw + 16,), jnp.int32),
            pltpu.VMEM((rpw, P), jnp.float32),
            pltpu.VMEM((rpw, P), jnp.float32),
            pltpu.SemaphoreType.DMA,
        ],
    )
    def sc_gather(ltab, rtab, order_hbm, out_l, out_r, ordv, lbuf, rbuf, sem):
        wid = lax.axis_index("s") * nc + lax.axis_index("c")
        base = wid * rpw
        pltpu.sync_copy(order_hbm.at[pl.ds(base, rpw)], ordv.at[pl.ds(0, rpw)])

        def body(r, carry):
            o = ordv[pl.ds(r, 16)][0]
            pltpu.async_copy(ltab.at[pl.ds(o, 1)], lbuf.at[pl.ds(r, 1)], sem)
            pltpu.async_copy(rtab.at[pl.ds(o, 1)], rbuf.at[pl.ds(r, 1)], sem)
            return carry

        lax.fori_loop(0, rpw, body, 0)
        pltpu.make_async_copy(ltab.at[pl.ds(0, rpw)], lbuf, sem).wait()
        pltpu.make_async_copy(rtab.at[pl.ds(0, rpw)], rbuf, sem).wait()
        pltpu.sync_copy(lbuf, out_l.at[pl.ds(base, rpw)])
        pltpu.sync_copy(rbuf, out_r.at[pl.ds(base, rpw)])

    return sc_gather


def _tc_nms_body(l_ref, r_ref, ul_ref, ur_ref, ol_ref, or_ref,
                 mb_ref, gram_ref, keepl_ref, keepr_ref):
    ol_ref[...] = jax.nn.sigmoid(l_ref[...])
    or_ref[...] = jax.nn.sigmoid(r_ref[...])
    ar = lax.broadcasted_iota(jnp.int32, (1, N_PAD), 1)

    def run_side(ref, u_ref, keep_ref):
        mb_ref[...] = ref[...].astype(jnp.bfloat16)
        keep_ref[...] = jnp.ones((1, N_PAD), dtype=jnp.int32)

        def cond(c):
            return c[0] < N_DET

        def body(c):
            i, cur_blk = c
            blk = i // BK
            base = pl.multiple_of(blk * BK, BK)

            @pl.when(blk != cur_blk)
            def _():
                lhs = mb_ref[pl.ds(base, BK), :]
                gram = lax.dot_general(
                    lhs, mb_ref[...], (((1,), (1,)), ((), ())),
                    preferred_element_type=jnp.float32)
                ub = u_ref[pl.ds(base, BK), :] + 1e-4
                gram_ref[...] = jnp.where(gram / ub >= THRESH, 1.0, 0.0)

            def resolve(j, keep):
                srow = gram_ref[pl.ds(j - base, 1), :]
                supp = (srow > 0.0) & (ar > j)
                keep = jnp.where(supp, 0, keep)
                cand = (keep > 0) & (ar > j) & (ar < N_DET)
                return jnp.min(jnp.where(cand, ar, N_DET)), keep

            keep = keep_ref[...]
            i1, keep = resolve(i, keep)
            for _ in range(7):
                ok = (i1 < N_DET) & (i1 // BK == blk)
                i2, keep2 = resolve(jnp.where(ok, i1, base), keep)
                keep = jnp.where(ok, keep2, keep)
                i1 = jnp.where(ok, i2, i1)
            keep_ref[...] = keep
            return i1, blk

        lax.while_loop(cond, body, (jnp.int32(0), jnp.int32(-1)))

    run_side(ol_ref, ul_ref, keepl_ref)
    run_side(or_ref, ur_ref, keepr_ref)
    maskf = (keepl_ref[...] * keepr_ref[...]).astype(jnp.float32)
    maskf = maskf.reshape(N_PAD, 1)
    ol_ref[...] = ol_ref[...] * maskf
    or_ref[...] = or_ref[...] * maskf


def kernel(left_mask_logits, right_mask_logits, scores, labels):
    n = left_mask_logits.shape[0]
    lt = jnp.transpose(left_mask_logits, (2, 3, 1, 0))
    rt = jnp.transpose(right_mask_logits, (2, 3, 1, 0))
    labels_pad = jnp.zeros((1, N_PAD), jnp.int32).at[0, :n].set(
        labels.astype(jnp.int32))

    sell, selr = _select(lt, rt, labels_pad)
    ltab = sell.reshape(P, N_PAD).T
    rtab = selr.reshape(P, N_PAD).T

    order = jnp.argsort(-scores).astype(jnp.int32)
    order_pad = jnp.zeros((N_PAD,), jnp.int32).at[:n].set(order)

    lg, rg = _build_sc_gather()(ltab, rtab, order_pad)

    pad_u = jnp.zeros((N_PAD - N_DET, 1), jnp.float32)
    ul = jnp.concatenate(
        [jnp.sum(jax.nn.sigmoid(lg[:N_DET]), axis=1, keepdims=True), pad_u])
    ur = jnp.concatenate(
        [jnp.sum(jax.nn.sigmoid(rg[:N_DET]), axis=1, keepdims=True), pad_u])

    ol, orr = pl.pallas_call(
        _tc_nms_body,
        out_shape=(
            jax.ShapeDtypeStruct((N_PAD, P), jnp.float32),
            jax.ShapeDtypeStruct((N_PAD, P), jnp.float32),
        ),
        scratch_shapes=[
            pltpu.VMEM((N_PAD, P), jnp.bfloat16),
            pltpu.VMEM((BK, N_PAD), jnp.float32),
            pltpu.VMEM((1, N_PAD), jnp.int32),
            pltpu.VMEM((1, N_PAD), jnp.int32),
        ],
    )(lg, rg, ul, ur)

    out = jnp.stack([ol[:n], orr[:n]])
    return out.reshape(2, n, 1, 14, 14)

# --- scband reference (transcript-rebuilt; emitter-appended) ---
"""Pipeline reference for scband-mask-post-processor-9045201125715 (READ-ONLY COPY).

The authoritative reference and input builder live on the scoring server;
editing this copy changes nothing except your own understanding.
"""

import jax, jax.numpy as jnp
import numpy as np

MASK_NMS_THRESH = 0.5


def _mask_nms_keep(masks_flat, thresh):
    # masks_flat: [N, P], rows sorted by score descending.
    # Faithful to MaskPostProcessor.mask_iou: i = (m_i * m_j).sum(); u = m_i.sum(); iou = i/(u+1e-4)
    n = masks_flat.shape[0]
    inter = masks_flat @ masks_flat.T
    u = jnp.sum(masks_flat, axis=1)[:, None]
    iou = inter / (u + 1e-4)
    ar = jnp.arange(n)

    def body(i, keep):
        suppress = (iou[i] >= thresh) & (ar > i) & keep[i]
        return keep & (~suppress)

    keep = jax.lax.fori_loop(0, n, body, jnp.ones((n,), dtype=bool))
    return keep


def setup_inputs(seed: int = 0) -> dict:
    key = jax.random.key(seed)
    k1, k2, k3, k4 = jax.random.split(key, 4)
    N, C, M = 5000, 81, 14
    return {
        'left_mask_logits': jax.random.normal(k1, (N, C, M, M), dtype=jnp.float32),
        'right_mask_logits': jax.random.normal(k2, (N, C, M, M), dtype=jnp.float32),
        'scores': jax.random.uniform(k3, (N,), dtype=jnp.float32),
        'labels': jax.random.randint(k4, (N,), 0, 81),
    }


def reference(left_mask_logits, right_mask_logits, scores, labels):
    n = left_mask_logits.shape[0]
    idx = jnp.arange(n)
    # sigmoid + per-detection class-indexed mask gather (x[index, labels][:, None])
    lp = jax.nn.sigmoid(left_mask_logits)[idx, labels][:, None]
    rp = jax.nn.sigmoid(right_mask_logits)[idx, labels][:, None]
    # rank by descending score (scores.argsort(descending=True))
    order = jnp.argsort(-scores)
    lp = lp[order]
    rp = rp[order]
    # greedy mask-NMS on each side
    lk = _mask_nms_keep(lp.reshape(n, -1), MASK_NMS_THRESH)
    rk = _mask_nms_keep(rp.reshape(n, -1), MASK_NMS_THRESH)
    # intersection of left/right keeps (set intersection in original), applied as a mask
    keep = (lk & rk).astype(lp.dtype)
    out = jnp.stack([lp * keep[:, None, None, None], rp * keep[:, None, None, None]])
    return out

if __name__ == "__main__":
    import jax
    _d = setup_inputs()
    print(jax.jit(kernel)(*tuple(_d.values())))

</pallas_src>

<mosaic_0001>
#map = affine_map<(d0, d1) -> (0, 0)>
#map1 = affine_map<(d0, d1) -> (0)>
module attributes {stable_mosaic.version = 14 : i64} {
  func.func @sc_gather(%arg0: i32, %arg1: i32, %arg2: memref<5120x196xf32, #tpu.memory_space<hbm>>, %arg3: memref<5120x196xf32, #tpu.memory_space<hbm>>, %arg4: memref<5120xi32, #tpu.memory_space<hbm>>, %arg5: memref<5120x196xf32, #tpu.memory_space<hbm>>, %arg6: memref<5120x196xf32, #tpu.memory_space<hbm>>, %arg7: memref<176xi32, #tpu.memory_space<vmem>>, %arg8: memref<160x196xf32, #tpu.memory_space<vmem>>, %arg9: memref<160x196xf32, #tpu.memory_space<vmem>>, %arg10: memref<!tpu.dma_semaphore, #tpu.memory_space<semaphore_mem>>) attributes {dimension_semantics = [#tpu.dimension_semantics<core_parallel>, #tpu.dimension_semantics<subcore_parallel>], iteration_bounds = array<i64: 2, 16>, scalar_prefetch = 0 : i64, scratch_operands = 4 : i64, tpu.core_type = #tpu.core_type<sc_vector_subcore>, window_params = [{transform_indices = #map}, {transform_indices = #map}, {transform_indices = #map1}, {transform_indices = #map}, {transform_indices = #map}]} {
    %mul3A = arith.constant 2 : i32
    %mul3A_0 = arith.muli %arg1, %mul3A : i32
    %add3A = arith.addi %mul3A_0, %arg0 : i32
    %mul3A_1 = arith.constant 160 : i32
    %mul3A_2 = arith.muli %add3A, %mul3A_1 : i32
    "tpu.region"() ({
      %run_scoped3A = tpu.sem_alloc : memref<!tpu.dma_semaphore, #tpu.memory_space<semaphore_mem>>
      %dma_start3A = arith.constant 0 : i32
      %dma_start3A_19 = tpu.memref_slice %arg7[%dma_start3A] : memref<176xi32, #tpu.memory_space<vmem>> -> memref<160xi32, #tpu.memory_space<vmem>>
      %dma_start3A_20 = tpu.memref_slice %arg4[%mul3A_2] : memref<5120xi32, #tpu.memory_space<hbm>> -> memref<160xi32, #tpu.memory_space<hbm>>
      %dma_start3A_21 = arith.constant 0 : i32
      %dma_start3A_22 = tpu.memref_slice %arg7[%dma_start3A_21] : memref<176xi32, #tpu.memory_space<vmem>> -> memref<160xi32, #tpu.memory_space<vmem>>
      %dma_start3A_23 = tpu.memref_slice %arg4[%mul3A_2] : memref<5120xi32, #tpu.memory_space<hbm>> -> memref<160xi32, #tpu.memory_space<hbm>>
      tpu.enqueue_dma source(%dma_start3A_23 : memref<160xi32, #tpu.memory_space<hbm>>) target(%dma_start3A_22 : memref<160xi32, #tpu.memory_space<vmem>>) target_semaphore(%run_scoped3A : memref<!tpu.dma_semaphore, #tpu.memory_space<semaphore_mem>>)
      %dma_wait3A_24 = arith.constant 0 : i32
      %dma_wait3A_25 = tpu.memref_slice %arg7[%dma_wait3A_24] : memref<176xi32, #tpu.memory_space<vmem>> -> memref<160xi32, #tpu.memory_space<vmem>>
      %dma_wait3A_26 = tpu.memref_slice %arg4[%mul3A_2] : memref<5120xi32, #tpu.memory_space<hbm>> -> memref<160xi32, #tpu.memory_space<hbm>>
      %dma_wait3A_27 = arith.constant 0 : i32
      %dma_wait3A_28 = tpu.memref_slice %arg7[%dma_wait3A_27] : memref<176xi32, #tpu.memory_space<vmem>> -> memref<160xi32, #tpu.memory_space<vmem>>
      %dma_wait3A_29 = tpu.memref_slice %arg4[%mul3A_2] : memref<5120xi32, #tpu.memory_space<hbm>> -> memref<160xi32, #tpu.memory_space<hbm>>
      tpu.wait_dma2 semaphore(%run_scoped3A : memref<!tpu.dma_semaphore, #tpu.memory_space<semaphore_mem>>) src(%dma_wait3A_29 : memref<160xi32, #tpu.memory_space<hbm>>) dst(%dma_wait3A_28 : memref<160xi32, #tpu.memory_space<vmem>>)
      tpu.yield
    }) : () -> ()
    %scan3A = arith.constant 0 : i32
    %scan3A_3 = arith.constant 0 : i32
    %scan3A_4 = arith.constant 160 : i32
    %scan3A_5 = arith.addi %scan3A_3, %scan3A_4 : i32
    %scan3A_6 = arith.constant 1 : i32
    scf.for %scan3A_19 = %scan3A_3 to %scan3A_5 step %scan3A_6  : i32 {
      %get3A = arith.index_cast %scan3A_19 : i32 to index
      %get3A_20 = tpu.vector_load %arg7[%get3A] {strides = array<i32>} : memref<176xi32, #tpu.memory_space<vmem>>, vector<16xi32>,
      %get3A_21 = vector.shape_cast %get3A_20 : vector<16xi32> to vector<16xi32>
      %slice3A = vector.extract_strided_slice %get3A_21 {offsets = [0], sizes = [1], strides = [1]} : vector<16xi32> to vector<1xi32>
      %squeeze3A = vector.extract %slice3A[0] : i32 from vector<1xi32>
      %dma_start3A = arith.constant 0 : i32
      %dma_start3A_22 = tpu.memref_slice %arg8[%scan3A_19, %dma_start3A] : memref<160x196xf32, #tpu.memory_space<vmem>> -> memref<1x196xf32, #tpu.memory_space<vmem>>
      %dma_start3A_23 = arith.constant 0 : i32
      %dma_start3A_24 = tpu.memref_slice %arg2[%squeeze3A, %dma_start3A_23] : memref<5120x196xf32, #tpu.memory_space<hbm>> -> memref<1x196xf32, #tpu.memory_space<hbm>>
      %dma_start3A_25 = arith.constant 0 : i32
      %dma_start3A_26 = tpu.memref_slice %arg8[%scan3A_19, %dma_start3A_25] : memref<160x196xf32, #tpu.memory_space<vmem>> -> memref<1x196xf32, #tpu.memory_space<vmem>>
      %dma_start3A_27 = arith.constant 0 : i32
      %dma_start3A_28 = tpu.memref_slice %arg2[%squeeze3A, %dma_start3A_27] : memref<5120x196xf32, #tpu.memory_space<hbm>> -> memref<1x196xf32, #tpu.memory_space<hbm>>
      tpu.enqueue_dma source(%dma_start3A_28 : memref<1x196xf32, #tpu.memory_space<hbm>>) target(%dma_start3A_26 : memref<1x196xf32, #tpu.memory_space<vmem>>) target_semaphore(%arg10 : memref<!tpu.dma_semaphore, #tpu.memory_space<semaphore_mem>>)
      %dma_start3A_29 = arith.constant 0 : i32
      %dma_start3A_30 = tpu.memref_slice %arg9[%scan3A_19, %dma_start3A_29] : memref<160x196xf32, #tpu.memory_space<vmem>> -> memref<1x196xf32, #tpu.memory_space<vmem>>
      %dma_start3A_31 = arith.constant 0 : i32
      %dma_start3A_32 = tpu.memref_slice %arg3[%squeeze3A, %dma_start3A_31] : memref<5120x196xf32, #tpu.memory_space<hbm>> -> memref<1x196xf32, #tpu.memory_space<hbm>>
      %dma_start3A_33 = arith.constant 0 : i32
      %dma_start3A_34 = tpu.memref_slice %arg9[%scan3A_19, %dma_start3A_33] : memref<160x196xf32, #tpu.memory_space<vmem>> -> memref<1x196xf32, #tpu.memory_space<vmem>>
      %dma_start3A_35 = arith.constant 0 : i32
      %dma_start3A_36 = tpu.memref_slice %arg3[%squeeze3A, %dma_start3A_35] : memref<5120x196xf32, #tpu.memory_space<hbm>> -> memref<1x196xf32, #tpu.memory_space<hbm>>
      tpu.enqueue_dma source(%dma_start3A_36 : memref<1x196xf32, #tpu.memory_space<hbm>>) target(%dma_start3A_34 : memref<1x196xf32, #tpu.memory_space<vmem>>) target_semaphore(%arg10 : memref<!tpu.dma_semaphore, #tpu.memory_space<semaphore_mem>>)
    }
    %scan3A_7 = arith.constant 160 : i32
    %dma_wait3A = arith.constant 0 : i32
    %dma_wait3A_8 = arith.constant 0 : i32
    %dma_wait3A_9 = tpu.memref_slice %arg2[%dma_wait3A, %dma_wait3A_8] : memref<5120x196xf32, #tpu.memory_space<hbm>> -> memref<160x196xf32, #tpu.memory_space<hbm>>
    %dma_wait3A_10 = arith.constant 0 : i32
    %dma_wait3A_11 = arith.constant 0 : i32
    %dma_wait3A_12 = tpu.memref_slice %arg2[%dma_wait3A_10, %dma_wait3A_11] : memref<5120x196xf32, #tpu.memory_space<hbm>> -> memref<160x196xf32, #tpu.memory_space<hbm>>
    tpu.wait_dma2 semaphore(%arg10 : memref<!tpu.dma_semaphore, #tpu.memory_space<semaphore_mem>>) src(%dma_wait3A_12 : memref<160x196xf32, #tpu.memory_space<hbm>>) dst(%arg8 : memref<160x196xf32, #tpu.memory_space<vmem>>)
    %dma_wait3A_13 = arith.constant 0 : i32
    %dma_wait3A_14 = arith.constant 0 : i32
    %dma_wait3A_15 = tpu.memref_slice %arg3[%dma_wait3A_13, %dma_wait3A_14] : memref<5120x196xf32, #tpu.memory_space<hbm>> -> memref<160x196xf32, #tpu.memory_space<hbm>>
    %dma_wait3A_16 = arith.constant 0 : i32
    %dma_wait3A_17 = arith.constant 0 : i32
    %dma_wait3A_18 = tpu.memref_slice %arg3[%dma_wait3A_16, %dma_wait3A_17] : memref<5120x196xf32, #tpu.memory_space<hbm>> -> memref<160x196xf32, #tpu.memory_space<hbm>>
    tpu.wait_dma2 semaphore(%arg10 : memref<!tpu.dma_semaphore, #tpu.memory_space<semaphore_mem>>) src(%dma_wait3A_18 : memref<160x196xf32, #tpu.memory_space<hbm>>) dst(%arg9 : memref<160x196xf32, #tpu.memory_space<vmem>>)
    "tpu.region"() ({
      %run_scoped3A = tpu.sem_alloc : memref<!tpu.dma_semaphore, #tpu.memory_space<semaphore_mem>>
      %dma_start3A = arith.constant 0 : i32
      %dma_start3A_19 = tpu.memref_slice %arg5[%mul3A_2, %dma_start3A] : memref<5120x196xf32, #tpu.memory_space<hbm>> -> memref<160x196xf32, #tpu.memory_space<hbm>>
      %dma_start3A_20 = arith.constant 0 : i32
      %dma_start3A_21 = tpu.memref_slice %arg5[%mul3A_2, %dma_start3A_20] : memref<5120x196xf32, #tpu.memory_space<hbm>> -> memref<160x196xf32, #tpu.memory_space<hbm>>
      tpu.enqueue_dma source(%arg8 : memref<160x196xf32, #tpu.memory_space<vmem>>) target(%dma_start3A_21 : memref<160x196xf32, #tpu.memory_space<hbm>>) target_semaphore(%run_scoped3A : memref<!tpu.dma_semaphore, #tpu.memory_space<semaphore_mem>>)
      %dma_wait3A_22 = arith.constant 0 : i32
      %dma_wait3A_23 = tpu.memref_slice %arg5[%mul3A_2, %dma_wait3A_22] : memref<5120x196xf32, #tpu.memory_space<hbm>> -> memref<160x196xf32, #tpu.memory_space<hbm>>
      %dma_wait3A_24 = arith.constant 0 : i32
      %dma_wait3A_25 = tpu.memref_slice %arg5[%mul3A_2, %dma_wait3A_24] : memref<5120x196xf32, #tpu.memory_space<hbm>> -> memref<160x196xf32, #tpu.memory_space<hbm>>
      tpu.wait_dma2 semaphore(%run_scoped3A : memref<!tpu.dma_semaphore, #tpu.memory_space<semaphore_mem>>) src(%arg8 : memref<160x196xf32, #tpu.memory_space<vmem>>) dst(%dma_wait3A_25 : memref<160x196xf32, #tpu.memory_space<hbm>>)
      tpu.yield
    }) : () -> ()
    "tpu.region"() ({
      %run_scoped3A = tpu.sem_alloc : memref<!tpu.dma_semaphore, #tpu.memory_space<semaphore_mem>>
      %dma_start3A = arith.constant 0 : i32
      %dma_start3A_19 = tpu.memref_slice %arg6[%mul3A_2, %dma_start3A] : memref<5120x196xf32, #tpu.memory_space<hbm>> -> memref<160x196xf32, #tpu.memory_space<hbm>>
      %dma_start3A_20 = arith.constant 0 : i32
      %dma_start3A_21 = tpu.memref_slice %arg6[%mul3A_2, %dma_start3A_20] : memref<5120x196xf32, #tpu.memory_space<hbm>> -> memref<160x196xf32, #tpu.memory_space<hbm>>
      tpu.enqueue_dma source(%arg9 : memref<160x196xf32, #tpu.memory_space<vmem>>) target(%dma_start3A_21 : memref<160x196xf32, #tpu.memory_space<hbm>>) target_semaphore(%run_scoped3A : memref<!tpu.dma_semaphore, #tpu.memory_space<semaphore_mem>>)
      %dma_wait3A_22 = arith.constant 0 : i32
      %dma_wait3A_23 = tpu.memref_slice %arg6[%mul3A_2, %dma_wait3A_22] : memref<5120x196xf32, #tpu.memory_space<hbm>> -> memref<160x196xf32, #tpu.memory_space<hbm>>
      %dma_wait3A_24 = arith.constant 0 : i32
      %dma_wait3A_25 = tpu.memref_slice %arg6[%mul3A_2, %dma_wait3A_24] : memref<5120x196xf32, #tpu.memory_space<hbm>> -> memref<160x196xf32, #tpu.memory_space<hbm>>
      tpu.wait_dma2 semaphore(%run_scoped3A : memref<!tpu.dma_semaphore, #tpu.memory_space<semaphore_mem>>) src(%arg9 : memref<160x196xf32, #tpu.memory_space<vmem>>) dst(%dma_wait3A_25 : memref<160x196xf32, #tpu.memory_space<hbm>>)
      tpu.yield
    }) : () -> ()
    return
  }
}

module attributes {stable_mosaic.version = 14 : i64} {
  func.func @_select_body(%arg0: i32, %arg1: i32, %arg2: memref<1x14x81x512xf32, #tpu.memory_space<vmem>>, %arg3: memref<1x14x81x512xf32, #tpu.memory_space<vmem>>, %arg4: memref<1x512xi32, #tpu.memory_space<vmem>>, %arg5: memref<1x14x512xf32, #tpu.memory_space<vmem>>, %arg6: memref<1x14x512xf32, #tpu.memory_space<vmem>>) attributes {dimension_semantics = [#tpu.dimension_semantics<arbitrary>, #tpu.dimension_semantics<arbitrary>], iteration_bounds = array<i64: 10, 14>, scalar_prefetch = 0 : i64, scratch_operands = 0 : i64, tpu.core_type = #tpu.core_type<tc>, window_params = [{transform_indices = @transform_0, window_bounds = array<i64: 1, 14, 81, 512>}, {transform_indices = @transform_1, window_bounds = array<i64: 1, 14, 81, 512>}, {transform_indices = @transform_2, window_bounds = array<i64: 1, 512>}, {transform_indices = @transform_3, window_bounds = array<i64: 1, 14, 512>}, {transform_indices = @transform_4, window_bounds = array<i64: 1, 14, 512>}]} {
    %get3A = arith.constant 0 : index
    %get3A_0 = arith.constant 0 : index
    %get3A_1 = vector.load %arg4[%get3A, %get3A_0] : memref<1x512xi32, #tpu.memory_space<vmem>>, vector<1x512xi32>
    %iota3A = tpu.iota {dimensions = array<i32: 0>} : vector<81x1xi32>
    %eq3A = vector.broadcast %get3A_1 : vector<1x512xi32> to vector<81x512xi32>
    %eq3A_2 = vector.broadcast %iota3A : vector<81x1xi32> to vector<81x512xi32>
    %eq3A_3 = arith.cmpi eq, %eq3A, %eq3A_2 : vector<81x512xi32>
    %get3A_4 = arith.constant 0 : index
    %get3A_5 = arith.constant 0 : index
    %get3A_6 = arith.constant 0 : index
    %get3A_7 = arith.constant 0 : index
    %get3A_8 = vector.load %arg2[%get3A_4, %get3A_5, %get3A_6, %get3A_7] : memref<1x14x81x512xf32, #tpu.memory_space<vmem>>, vector<1x1x81x512xf32>
    %get3A_9 = vector.shape_cast %get3A_8 : vector<1x1x81x512xf32> to vector<81x512xf32>
    %jit3A = arith.constant 0.000000e+00 : f32
    %broadcast_in_dim3A = vector.broadcast %jit3A : f32 to vector<81x512xf32>
    %select_n3A = arith.select %eq3A_3, %get3A_9, %broadcast_in_dim3A : vector<81x512xi1>, vector<81x512xf32>
    %reduce_sum3A = arith.constant dense<0.000000e+00> : vector<512xf32>
    %reduce_sum3A_10 = vector.multi_reduction <add>, %select_n3A, %reduce_sum3A [0] : vector<81x512xf32> to vector<512xf32>
    %broadcast_in_dim3A_11 = vector.shape_cast %reduce_sum3A_10 : vector<512xf32> to vector<1x512xf32>
    %get3A_12 = arith.constant 0 : index
    %get3A_13 = arith.constant 0 : index
    %get3A_14 = arith.constant 0 : index
    %get3A_15 = arith.constant 0 : index
    %get3A_16 = vector.load %arg3[%get3A_12, %get3A_13, %get3A_14, %get3A_15] : memref<1x14x81x512xf32, #tpu.memory_space<vmem>>, vector<1x1x81x512xf32>
    %get3A_17 = vector.shape_cast %get3A_16 : vector<1x1x81x512xf32> to vector<81x512xf32>
    %jit3A_18 = arith.constant 0.000000e+00 : f32
    %broadcast_in_dim3A_19 = vector.broadcast %jit3A_18 : f32 to vector<81x512xf32>
    %select_n3A_20 = arith.select %eq3A_3, %get3A_17, %broadcast_in_dim3A_19 : vector<81x512xi1>, vector<81x512xf32>
    %reduce_sum3A_21 = arith.constant dense<0.000000e+00> : vector<512xf32>
    %reduce_sum3A_22 = vector.multi_reduction <add>, %select_n3A_20, %reduce_sum3A_21 [0] : vector<81x512xf32> to vector<512xf32>
    %broadcast_in_dim3A_23 = vector.shape_cast %reduce_sum3A_22 : vector<512xf32> to vector<1x512xf32>
    %swap3A = arith.constant 0 : index
    %swap3A_24 = arith.constant 0 : index
    %swap3A_25 = arith.constant 0 : index
    %swap3A_26 = vector.load %arg5[%swap3A, %swap3A_24, %swap3A_25] : memref<1x14x512xf32, #tpu.memory_space<vmem>>, vector<1x1x512xf32>
    %swap3A_27 = vector.shape_cast %swap3A_26 : vector<1x1x512xf32> to vector<1x512xf32>
    %swap3A_28 = vector.shape_cast %broadcast_in_dim3A_11 : vector<1x512xf32> to vector<1x1x512xf32>
    tpu.vector_store %arg5[%swap3A, %swap3A_24, %swap3A_25], %swap3A_28 {strides = array<i32>} : memref<1x14x512xf32, #tpu.memory_space<vmem>>, vector<1x1x512xf32>,
    %swap3A_29 = arith.constant 0 : index
    %swap3A_30 = arith.constant 0 : index
    %swap3A_31 = arith.constant 0 : index
    %swap3A_32 = vector.load %arg6[%swap3A_29, %swap3A_30, %swap3A_31] : memref<1x14x512xf32, #tpu.memory_space<vmem>>, vector<1x1x512xf32>
    %swap3A_33 = vector.shape_cast %swap3A_32 : vector<1x1x512xf32> to vector<1x512xf32>
    %swap3A_34 = vector.shape_cast %broadcast_in_dim3A_23 : vector<1x512xf32> to vector<1x1x512xf32>
    tpu.vector_store %arg6[%swap3A_29, %swap3A_30, %swap3A_31], %swap3A_34 {strides = array<i32>} : memref<1x14x512xf32, #tpu.memory_space<vmem>>, vector<1x1x512xf32>,
    %get3A_35 = arith.constant 0 : index
    %get3A_36 = arith.constant 1 : index
    %get3A_37 = arith.constant 0 : index
    %get3A_38 = arith.constant 0 : index
    %get3A_39 = vector.load %arg2[%get3A_35, %get3A_36, %get3A_37, %get3A_38] : memref<1x14x81x512xf32, #tpu.memory_space<vmem>>, vector<1x1x81x512xf32>
    %get3A_40 = vector.shape_cast %get3A_39 : vector<1x1x81x512xf32> to vector<81x512xf32>
    %jit3A_41 = arith.constant 0.000000e+00 : f32
    %broadcast_in_dim3A_42 = vector.broadcast %jit3A_41 : f32 to vector<81x512xf32>
    %select_n3A_43 = arith.select %eq3A_3, %get3A_40, %broadcast_in_dim3A_42 : vector<81x512xi1>, vector<81x512xf32>
    %reduce_sum3A_44 = arith.constant dense<0.000000e+00> : vector<512xf32>
    %reduce_sum3A_45 = vector.multi_reduction <add>, %select_n3A_43, %reduce_sum3A_44 [0] : vector<81x512xf32> to vector<512xf32>
    %broadcast_in_dim3A_46 = vector.shape_cast %reduce_sum3A_45 : vector<512xf32> to vector<1x512xf32>
    %get3A_47 = arith.constant 0 : index
    %get3A_48 = arith.constant 1 : index
    %get3A_49 = arith.constant 0 : index
    %get3A_50 = arith.constant 0 : index
    %get3A_51 = vector.load %arg3[%get3A_47, %get3A_48, %get3A_49, %get3A_50] : memref<1x14x81x512xf32, #tpu.memory_space<vmem>>, vector<1x1x81x512xf32>
    %get3A_52 = vector.shape_cast %get3A_51 : vector<1x1x81x512xf32> to vector<81x512xf32>
    %jit3A_53 = arith.constant 0.000000e+00 : f32
    %broadcast_in_dim3A_54 = vector.broadcast %jit3A_53 : f32 to vector<81x512xf32>
    %select_n3A_55 = arith.select %eq3A_3, %get3A_52, %broadcast_in_dim3A_54 : vector<81x512xi1>, vector<81x512xf32>
    %reduce_sum3A_56 = arith.constant dense<0.000000e+00> : vector<512xf32>
    %reduce_sum3A_57 = vector.multi_reduction <add>, %select_n3A_55, %reduce_sum3A_56 [0] : vector<81x512xf32> to vector<512xf32>
    %broadcast_in_dim3A_58 = vector.shape_cast %reduce_sum3A_57 : vector<512xf32> to vector<1x512xf32>
    %swap3A_59 = arith.constant 0 : index
    %swap3A_60 = arith.constant 1 : index
    %swap3A_61 = arith.constant 0 : index
    %swap3A_62 = vector.load %arg5[%swap3A_59, %swap3A_60, %swap3A_61] : memref<1x14x512xf32, #tpu.memory_space<vmem>>, vector<1x1x512xf32>
    %swap3A_63 = vector.shape_cast %swap3A_62 : vector<1x1x512xf32> to vector<1x512xf32>
    %swap3A_64 = vector.shape_cast %broadcast_in_dim3A_46 : vector<1x512xf32> to vector<1x1x512xf32>
    tpu.vector_store %arg5[%swap3A_59, %swap3A_60, %swap3A_61], %swap3A_64 {strides = array<i32>} : memref<1x14x512xf32, #tpu.memory_space<vmem>>, vector<1x1x512xf32>,
    %swap3A_65 = arith.constant 0 : index
    %swap3A_66 = arith.constant 1 : index
    %swap3A_67 = arith.constant 0 : index
    %swap3A_68 = vector.load %arg6[%swap3A_65, %swap3A_66, %swap3A_67] : memref<1x14x512xf32, #tpu.memory_space<vmem>>, vector<1x1x512xf32>
    %swap3A_69 = vector.shape_cast %swap3A_68 : vector<1x1x512xf32> to vector<1x512xf32>
    %swap3A_70 = vector.shape_cast %broadcast_in_dim3A_58 : vector<1x512xf32> to vector<1x1x512xf32>
    tpu.vector_store %arg6[%swap3A_65, %swap3A_66, %swap3A_67], %swap3A_70 {strides = array<i32>} : memref<1x14x512xf32, #tpu.memory_space<vmem>>, vector<1x1x512xf32>,
    %get3A_71 = arith.constant 0 : index
    %get3A_72 = arith.constant 2 : index
    %get3A_73 = arith.constant 0 : index
    %get3A_74 = arith.constant 0 : index
    %get3A_75 = vector.load %arg2[%get3A_71, %get3A_72, %get3A_73, %get3A_74] : memref<1x14x81x512xf32, #tpu.memory_space<vmem>>, vector<1x1x81x512xf32>
    %get3A_76 = vector.shape_cast %get3A_75 : vector<1x1x81x512xf32> to vector<81x512xf32>
    %jit3A_77 = arith.constant 0.000000e+00 : f32
    %broadcast_in_dim3A_78 = vector.broadcast %jit3A_77 : f32 to vector<81x512xf32>
    %select_n3A_79 = arith.select %eq3A_3, %get3A_76, %broadcast_in_dim3A_78 : vector<81x512xi1>, vector<81x512xf32>
    %reduce_sum3A_80 = arith.constant dense<0.000000e+00> : vector<512xf32>
    %reduce_sum3A_81 = vector.multi_reduction <add>, %select_n3A_79, %reduce_sum3A_80 [0] : vector<81x512xf32> to vector<512xf32>
    %broadcast_in_dim3A_82 = vector.shape_cast %reduce_sum3A_81 : vector<512xf32> to vector<1x512xf32>
    %get3A_83 = arith.constant 0 : index
    %get3A_84 = arith.constant 2 : index
    %get3A_85 = arith.constant 0 : index
    %get3A_86 = arith.constant 0 : index
    %get3A_87 = vector.load %arg3[%get3A_83, %get3A_84, %get3A_85, %get3A_86] : memref<1x14x81x512xf32, #tpu.memory_space<vmem>>, vector<1x1x81x512xf32>
    %get3A_88 = vector.shape_cast %get3A_87 : vector<1x1x81x512xf32> to vector<81x512xf32>
    %jit3A_89 = arith.constant 0.000000e+00 : f32
    %broadcast_in_dim3A_90 = vector.broadcast %jit3A_89 : f32 to vector<81x512xf32>
    %select_n3A_91 = arith.select %eq3A_3, %get3A_88, %broadcast_in_dim3A_90 : vector<81x512xi1>, vector<81x512xf32>
    %reduce_sum3A_92 = arith.constant dense<0.000000e+00> : vector<512xf32>
    %reduce_sum3A_93 = vector.multi_reduction <add>, %select_n3A_91, %reduce_sum3A_92 [0] : vector<81x512xf32> to vector<512xf32>
    %broadcast_in_dim3A_94 = vector.shape_cast %reduce_sum3A_93 : vector<512xf32> to vector<1x512xf32>
    %swap3A_95 = arith.constant 0 : index
    %swap3A_96 = arith.constant 2 : index
    %swap3A_97 = arith.constant 0 : index
    %swap3A_98 = vector.load %arg5[%swap3A_95, %swap3A_96, %swap3A_97] : memref<1x14x512xf32, #tpu.memory_space<vmem>>, vector<1x1x512xf32>
    %swap3A_99 = vector.shape_cast %swap3A_98 : vector<1x1x512xf32> to vector<1x512xf32>
    %swap3A_100 = vector.shape_cast %broadcast_in_dim3A_82 : vector<1x512xf32> to vector<1x1x512xf32>
    tpu.vector_store %arg5[%swap3A_95, %swap3A_96, %swap3A_97], %swap3A_100 {strides = array<i32>} : memref<1x14x512xf32, #tpu.memory_space<vmem>>, vector<1x1x512xf32>,
    %swap3A_101 = arith.constant 0 : index
    %swap3A_102 = arith.constant 2 : index
    %swap3A_103 = arith.constant 0 : index
    %swap3A_104 = vector.load %arg6[%swap3A_101, %swap3A_102, %swap3A_103] : memref<1x14x512xf32, #tpu.memory_space<vmem>>, vector<1x1x512xf32>
    %swap3A_105 = vector.shape_cast %swap3A_104 : vector<1x1x512xf32> to vector<1x512xf32>
    %swap3A_106 = vector.shape_cast %broadcast_in_dim3A_94 : vector<1x512xf32> to vector<1x1x512xf32>
    tpu.vector_store %arg6[%swap3A_101, %swap3A_102, %swap3A_103], %swap3A_106 {strides = array<i32>} : memref<1x14x512xf32, #tpu.memory_space<vmem>>, vector<1x1x512xf32>,
    %get3A_107 = arith.constant 0 : index
    %get3A_108 = arith.constant 3 : index
    %get3A_109 = arith.constant 0 : index
    %get3A_110 = arith.constant 0 : index
    %get3A_111 = vector.load %arg2[%get3A_107, %get3A_108, %get3A_109, %get3A_110] : memref<1x14x81x512xf32, #tpu.memory_space<vmem>>, vector<1x1x81x512xf32>
    %get3A_112 = vector.shape_cast %get3A_111 : vector<1x1x81x512xf32> to vector<81x512xf32>
    %jit3A_113 = arith.constant 0.000000e+00 : f32
    %broadcast_in_dim3A_114 = vector.broadcast %jit3A_113 : f32 to vector<81x512xf32>
    %select_n3A_115 = arith.select %eq3A_3, %get3A_112, %broadcast_in_dim3A_114 : vector<81x512xi1>, vector<81x512xf32>
    %reduce_sum3A_116 = arith.constant dense<0.000000e+00> : vector<512xf32>
    %reduce_sum3A_117 = vector.multi_reduction <add>, %select_n3A_115, %reduce_sum3A_116 [0] : vector<81x512xf32> to vector<512xf32>
    %broadcast_in_dim3A_118 = vector.shape_cast %reduce_sum3A_117 : vector<512xf32> to vector<1x512xf32>
    %get3A_119 = arith.constant 0 : index
    %get3A_120 = arith.constant 3 : index
    %get3A_121 = arith.constant 0 : index
    %get3A_122 = arith.constant 0 : index
    %get3A_123 = vector.load %arg3[%get3A_119, %get3A_120, %get3A_121, %get3A_122] : memref<1x14x81x512xf32, #tpu.memory_space<vmem>>, vector<1x1x81x512xf32>
    %get3A_124 = vector.shape_cast %get3A_123 : vector<1x1x81x512xf32> to vector<81x512xf32>
    %jit3A_125 = arith.constant 0.000000e+00 : f32
    %broadcast_in_dim3A_126 = vector.broadcast %jit3A_125 : f32 to vector<81x512xf32>
    %select_n3A_127 = arith.select %eq3A_3, %get3A_124, %broadcast_in_dim3A_126 : vector<81x512xi1>, vector<81x512xf32>
    %reduce_sum3A_128 = arith.constant dense<0.000000e+00> : vector<512xf32>
    %reduce_sum3A_129 = vector.multi_reduction <add>, %select_n3A_127, %reduce_sum3A_128 [0] : vector<81x512xf32> to vector<512xf32>
    %broadcast_in_dim3A_130 = vector.shape_cast %reduce_sum3A_129 : vector<512xf32> to vector<1x512xf32>
    %swap3A_131 = arith.constant 0 : index
    %swap3A_132 = arith.constant 3 : index
    %swap3A_133 = arith.constant 0 : index
    %swap3A_134 = vector.load %arg5[%swap3A_131, %swap3A_132, %swap3A_133] : memref<1x14x512xf32, #tpu.memory_space<vmem>>, vector<1x1x512xf32>
    %swap3A_135 = vector.shape_cast %swap3A_134 : vector<1x1x512xf32> to vector<1x512xf32>
    %swap3A_136 = vector.shape_cast %broadcast_in_dim3A_118 : vector<1x512xf32> to vector<1x1x512xf32>
    tpu.vector_store %arg5[%swap3A_131, %swap3A_132, %swap3A_133], %swap3A_136 {strides = array<i32>} : memref<1x14x512xf32, #tpu.memory_space<vmem>>, vector<1x1x512xf32>,
    %swap3A_137 = arith.constant 0 : index
    %swap3A_138 = arith.constant 3 : index
    %swap3A_139 = arith.constant 0 : index
    %swap3A_140 = vector.load %arg6[%swap3A_137, %swap3A_138, %swap3A_139] : memref<1x14x512xf32, #tpu.memory_space<vmem>>, vector<1x1x512xf32>
    %swap3A_141 = vector.shape_cast %swap3A_140 : vector<1x1x512xf32> to vector<1x512xf32>
    %swap3A_142 = vector.shape_cast %broadcast_in_dim3A_130 : vector<1x512xf32> to vector<1x1x512xf32>
    tpu.vector_store %arg6[%swap3A_137, %swap3A_138, %swap3A_139], %swap3A_142 {strides = array<i32>} : memref<1x14x512xf32, #tpu.memory_space<vmem>>, vector<1x1x512xf32>,
    %get3A_143 = arith.constant 0 : index
    %get3A_144 = arith.constant 4 : index
    %get3A_145 = arith.constant 0 : index
    %get3A_146 = arith.constant 0 : index
    %get3A_147 = vector.load %arg2[%get3A_143, %get3A_144, %get3A_145, %get3A_146] : memref<1x14x81x512xf32, #tpu.memory_space<vmem>>, vector<1x1x81x512xf32>
    %get3A_148 = vector.shape_cast %get3A_147 : vector<1x1x81x512xf32> to vector<81x512xf32>
    %jit3A_149 = arith.constant 0.000000e+00 : f32
    %broadcast_in_dim3A_150 = vector.broadcast %jit3A_149 : f32 to vector<81x512xf32>
    %select_n3A_151 = arith.select %eq3A_3, %get3A_148, %broadcast_in_dim3A_150 : vector<81x512xi1>, vector<81x512xf32>
    %reduce_sum3A_152 = arith.constant dense<0.000000e+00> : vector<512xf32>
    %reduce_sum3A_153 = vector.multi_reduction <add>, %select_n3A_151, %reduce_sum3A_152 [0] : vector<81x512xf32> to vector<512xf32>
    %broadcast_in_dim3A_154 = vector.shape_cast %reduce_sum3A_153 : vector<512xf32> to vector<1x512xf32>
    %get3A_155 = arith.constant 0 : index
    %get3A_156 = arith.constant 4 : index
    %get3A_157 = arith.constant 0 : index
    %get3A_158 = arith.constant 0 : index
    %get3A_159 = vector.load %arg3[%get3A_155, %get3A_156, %get3A_157, %get3A_158] : memref<1x14x81x512xf32, #tpu.memory_space<vmem>>, vector<1x1x81x512xf32>
    %get3A_160 = vector.shape_cast %get3A_159 : vector<1x1x81x512xf32> to vector<81x512xf32>
    %jit3A_161 = arith.constant 0.000000e+00 : f32
    %broadcast_in_dim3A_162 = vector.broadcast %jit3A_161 : f32 to vector<81x512xf32>
    %select_n3A_163 = arith.select %eq3A_3, %get3A_160, %broadcast_in_dim3A_162 : vector<81x512xi1>, vector<81x512xf32>
    %reduce_sum3A_164 = arith.constant dense<0.000000e+00> : vector<512xf32>
    %reduce_sum3A_165 = vector.multi_reduction <add>, %select_n3A_163, %reduce_sum3A_164 [0] : vector<81x512xf32> to vector<512xf32>
    %broadcast_in_dim3A_166 = vector.shape_cast %reduce_sum3A_165 : vector<512xf32> to vector<1x512xf32>
    %swap3A_167 = arith.constant 0 : index
    %swap3A_168 = arith.constant 4 : index
    %swap3A_169 = arith.constant 0 : index
    %swap3A_170 = vector.load %arg5[%swap3A_167, %swap3A_168, %swap3A_169] : memref<1x14x512xf32, #tpu.memory_space<vmem>>, vector<1x1x512xf32>
    %swap3A_171 = vector.shape_cast %swap3A_170 : vector<1x1x512xf32> to vector<1x512xf32>
    %swap3A_172 = vector.shape_cast %broadcast_in_dim3A_154 : vector<1x512xf32> to vector<1x1x512xf32>
    tpu.vector_store %arg5[%swap3A_167, %swap3A_168, %swap3A_169], %swap3A_172 {strides = array<i32>} : memref<1x14x512xf32, #tpu.memory_space<vmem>>, vector<1x1x512xf32>,
    %swap3A_173 = arith.constant 0 : index
    %swap3A_174 = arith.constant 4 : index
    %swap3A_175 = arith.constant 0 : index
    %swap3A_176 = vector.load %arg6[%swap3A_173, %swap3A_174, %swap3A_175] : memref<1x14x512xf32, #tpu.memory_space<vmem>>, vector<1x1x512xf32>
    %swap3A_177 = vector.shape_cast %swap3A_176 : vector<1x1x512xf32> to vector<1x512xf32>
    %swap3A_178 = vector.shape_cast %broadcast_in_dim3A_166 : vector<1x512xf32> to vector<1x1x512xf32>
    tpu.vector_store %arg6[%swap3A_173, %swap3A_174, %swap3A_175], %swap3A_178 {strides = array<i32>} : memref<1x14x512xf32, #tpu.memory_space<vmem>>, vector<1x1x512xf32>,
    %get3A_179 = arith.constant 0 : index
    %get3A_180 = arith.constant 5 : index
    %get3A_181 = arith.constant 0 : index
    %get3A_182 = arith.constant 0 : index
    %get3A_183 = vector.load %arg2[%get3A_179, %get3A_180, %get3A_181, %get3A_182] : memref<1x14x81x512xf32, #tpu.memory_space<vmem>>, vector<1x1x81x512xf32>
    %get3A_184 = vector.shape_cast %get3A_183 : vector<1x1x81x512xf32> to vector<81x512xf32>
    %jit3A_185 = arith.constant 0.000000e+00 : f32
    %broadcast_in_dim3A_186 = vector.broadcast %jit3A_185 : f32 to vector<81x512xf32>
    %select_n3A_187 = arith.select %eq3A_3, %get3A_184, %broadcast_in_dim3A_186 : vector<81x512xi1>, vector<81x512xf32>
    %reduce_sum3A_188 = arith.constant dense<0.000000e+00> : vector<512xf32>
    %reduce_sum3A_189 = vector.multi_reduction <add>, %select_n3A_187, %reduce_sum3A_188 [0] : vector<81x512xf32> to vector<512xf32>
    %broadcast_in_dim3A_190 = vector.shape_cast %reduce_sum3A_189 : vector<512xf32> to vector<1x512xf32>
    %get3A_191 = arith.constant 0 : index
    %get3A_192 = arith.constant 5 : index
    %get3A_193 = arith.constant 0 : index
    %get3A_194 = arith.constant 0 : index
    %get3A_195 = vector.load %arg3[%get3A_191, %get3A_192, %get3A_193, %get3A_194] : memref<1x14x81x512xf32, #tpu.memory_space<vmem>>, vector<1x1x81x512xf32>
    %get3A_196 = vector.shape_cast %get3A_195 : vector<1x1x81x512xf32> to vector<81x512xf32>
    %jit3A_197 = arith.constant 0.000000e+00 : f32
    %broadcast_in_dim3A_198 = vector.broadcast %jit3A_197 : f32 to vector<81x512xf32>
    %select_n3A_199 = arith.select %eq3A_3, %get3A_196, %broadcast_in_dim3A_198 : vector<81x512xi1>, vector<81x512xf32>
    %reduce_sum3A_200 = arith.constant dense<0.000000e+00> : vector<512xf32>
    %reduce_sum3A_201 = vector.multi_reduction <add>, %select_n3A_199, %reduce_sum3A_200 [0] : vector<81x512xf32> to vector<512xf32>
    %broadcast_in_dim3A_202 = vector.shape_cast %reduce_sum3A_201 : vector<512xf32> to vector<1x512xf32>
    %swap3A_203 = arith.constant 0 : index
    %swap3A_204 = arith.constant 5 : index
    %swap3A_205 = arith.constant 0 : index
    %swap3A_206 = vector.load %arg5[%swap3A_203, %swap3A_204, %swap3A_205] : memref<1x14x512xf32, #tpu.memory_space<vmem>>, vector<1x1x512xf32>
    %swap3A_207 = vector.shape_cast %swap3A_206 : vector<1x1x512xf32> to vector<1x512xf32>
    %swap3A_208 = vector.shape_cast %broadcast_in_dim3A_190 : vector<1x512xf32> to vector<1x1x512xf32>
    tpu.vector_store %arg5[%swap3A_203, %swap3A_204, %swap3A_205], %swap3A_208 {strides = array<i32>} : memref<1x14x512xf32, #tpu.memory_space<vmem>>, vector<1x1x512xf32>,
    %swap3A_209 = arith.constant 0 : index
    %swap3A_210 = arith.constant 5 : index
    %swap3A_211 = arith.constant 0 : index
    %swap3A_212 = vector.load %arg6[%swap3A_209, %swap3A_210, %swap3A_211] : memref<1x14x512xf32, #tpu.memory_space<vmem>>, vector<1x1x512xf32>
    %swap3A_213 = vector.shape_cast %swap3A_212 : vector<1x1x512xf32> to vector<1x512xf32>
    %swap3A_214 = vector.shape_cast %broadcast_in_dim3A_202 : vector<1x512xf32> to vector<1x1x512xf32>
    tpu.vector_store %arg6[%swap3A_209, %swap3A_210, %swap3A_211], %swap3A_214 {strides = array<i32>} : memref<1x14x512xf32, #tpu.memory_space<vmem>>, vector<1x1x512xf32>,
    %get3A_215 = arith.constant 0 : index
    %get3A_216 = arith.constant 6 : index
    %get3A_217 = arith.constant 0 : index
    %get3A_218 = arith.constant 0 : index
    %get3A_219 = vector.load %arg2[%get3A_215, %get3A_216, %get3A_217, %get3A_218] : memref<1x14x81x512xf32, #tpu.memory_space<vmem>>, vector<1x1x81x512xf32>
    %get3A_220 = vector.shape_cast %get3A_219 : vector<1x1x81x512xf32> to vector<81x512xf32>
    %jit3A_221 = arith.constant 0.000000e+00 : f32
    %broadcast_in_dim3A_222 = vector.broadcast %jit3A_221 : f32 to vector<81x512xf32>
    %select_n3A_223 = arith.select %eq3A_3, %get3A_220, %broadcast_in_dim3A_222 : vector<81x512xi1>, vector<81x512xf32>
    %reduce_sum3A_224 = arith.constant dense<0.000000e+00> : vector<512xf32>
    %reduce_sum3A_225 = vector.multi_reduction <add>, %select_n3A_223, %reduce_sum3A_224 [0] : vector<81x512xf32> to vector<512xf32>
    %broadcast_in_dim3A_226 = vector.shape_cast %reduce_sum3A_225 : vector<512xf32> to vector<1x512xf32>
    %get3A_227 = arith.constant 0 : index
    %get3A_228 = arith.constant 6 : index
    %get3A_229 = arith.constant 0 : index
    %get3A_230 = arith.constant 0 : index
    %get3A_231 = vector.load %arg3[%get3A_227, %get3A_228, %get3A_229, %get3A_230] : memref<1x14x81x512xf32, #tpu.memory_space<vmem>>, vector<1x1x81x512xf32>
    %get3A_232 = vector.shape_cast %get3A_231 : vector<1x1x81x512xf32> to vector<81x512xf32>
    %jit3A_233 = arith.constant 0.000000e+00 : f32
    %broadcast_in_dim3A_234 = vector.broadcast %jit3A_233 : f32 to vector<81x512xf32>
    %select_n3A_235 = arith.select %eq3A_3, %get3A_232, %broadcast_in_dim3A_234 : vector<81x512xi1>, vector<81x512xf32>
    %reduce_sum3A_236 = arith.constant dense<0.000000e+00> : vector<512xf32>
    %reduce_sum3A_237 = vector.multi_reduction <add>, %select_n3A_235, %reduce_sum3A_236 [0] : vector<81x512xf32> to vector<512xf32>
    %broadcast_in_dim3A_238 = vector.shape_cast %reduce_sum3A_237 : vector<512xf32> to vector<1x512xf32>
    %swap3A_239 = arith.constant 0 : index
    %swap3A_240 = arith.constant 6 : index
    %swap3A_241 = arith.constant 0 : index
    %swap3A_242 = vector.load %arg5[%swap3A_239, %swap3A_240, %swap3A_241] : memref<1x14x512xf32, #tpu.memory_space<vmem>>, vector<1x1x512xf32>
    %swap3A_243 = vector.shape_cast %swap3A_242 : vector<1x1x512xf32> to vector<1x512xf32>
    %swap3A_244 = vector.shape_cast %broadcast_in_dim3A_226 : vector<1x512xf32> to vector<1x1x512xf32>
    tpu.vector_store %arg5[%swap3A_239, %swap3A_240, %swap3A_241], %swap3A_244 {strides = array<i32>} : memref<1x14x512xf32, #tpu.memory_space<vmem>>, vector<1x1x512xf32>,
    %swap3A_245 = arith.constant 0 : index
    %swap3A_246 = arith.constant 6 : index
    %swap3A_247 = arith.constant 0 : index
    %swap3A_248 = vector.load %arg6[%swap3A_245, %swap3A_246, %swap3A_247] : memref<1x14x512xf32, #tpu.memory_space<vmem>>, vector<1x1x512xf32>
    %swap3A_249 = vector.shape_cast %swap3A_248 : vector<1x1x512xf32> to vector<1x512xf32>
    %swap3A_250 = vector.shape_cast %broadcast_in_dim3A_238 : vector<1x512xf32> to vector<1x1x512xf32>
    tpu.vector_store %arg6[%swap3A_245, %swap3A_246, %swap3A_247], %swap3A_250 {strides = array<i32>} : memref<1x14x512xf32, #tpu.memory_space<vmem>>, vector<1x1x512xf32>,
    %get3A_251 = arith.constant 0 : index
    %get3A_252 = arith.constant 7 : index
    %get3A_253 = arith.constant 0 : index
    %get3A_254 = arith.constant 0 : index
    %get3A_255 = vector.load %arg2[%get3A_251, %get3A_252, %get3A_253, %get3A_254] : memref<1x14x81x512xf32, #tpu.memory_space<vmem>>, vector<1x1x81x512xf32>
    %get3A_256 = vector.shape_cast %get3A_255 : vector<1x1x81x512xf32> to vector<81x512xf32>
    %jit3A_257 = arith.constant 0.000000e+00 : f32
    %broadcast_in_dim3A_258 = vector.broadcast %jit3A_257 : f32 to vector<81x512xf32>
    %select_n3A_259 = arith.select %eq3A_3, %get3A_256, %broadcast_in_dim3A_258 : vector<81x512xi1>, vector<81x512xf32>
    %reduce_sum3A_260 = arith.constant dense<0.000000e+00> : vector<512xf32>
    %reduce_sum3A_261 = vector.multi_reduction <add>, %select_n3A_259, %reduce_sum3A_260 [0] : vector<81x512xf32> to vector<512xf32>
    %broadcast_in_dim3A_262 = vector.shape_cast %reduce_sum3A_261 : vector<512xf32> to vector<1x512xf32>
    %get3A_263 = arith.constant 0 : index
    %get3A_264 = arith.constant 7 : index
    %get3A_265 = arith.constant 0 : index
    %get3A_266 = arith.constant 0 : index
    %get3A_267 = vector.load %arg3[%get3A_263, %get3A_264, %get3A_265, %get3A_266] : memref<1x14x81x512xf32, #tpu.memory_space<vmem>>, vector<1x1x81x512xf32>
    %get3A_268 = vector.shape_cast %get3A_267 : vector<1x1x81x512xf32> to vector<81x512xf32>
    %jit3A_269 = arith.constant 0.000000e+00 : f32
    %broadcast_in_dim3A_270 = vector.broadcast %jit3A_269 : f32 to vector<81x512xf32>
    %select_n3A_271 = arith.select %eq3A_3, %get3A_268, %broadcast_in_dim3A_270 : vector<81x512xi1>, vector<81x512xf32>
    %reduce_sum3A_272 = arith.constant dense<0.000000e+00> : vector<512xf32>
    %reduce_sum3A_273 = vector.multi_reduction <add>, %select_n3A_271, %reduce_sum3A_272 [0] : vector<81x512xf32> to vector<512xf32>
    %broadcast_in_dim3A_274 = vector.shape_cast %reduce_sum3A_273 : vector<512xf32> to vector<1x512xf32>
    %swap3A_275 = arith.constant 0 : index
    %swap3A_276 = arith.constant 7 : index
    %swap3A_277 = arith.constant 0 : index
    %swap3A_278 = vector.load %arg5[%swap3A_275, %swap3A_276, %swap3A_277] : memref<1x14x512xf32, #tpu.memory_space<vmem>>, vector<1x1x512xf32>
    %swap3A_279 = vector.shape_cast %swap3A_278 : vector<1x1x512xf32> to vector<1x512xf32>
    %swap3A_280 = vector.shape_cast %broadcast_in_dim3A_262 : vector<1x512xf32> to vector<1x1x512xf32>
    tpu.vector_store %arg5[%swap3A_275, %swap3A_276, %swap3A_277], %swap3A_280 {strides = array<i32>} : memref<1x14x512xf32, #tpu.memory_space<vmem>>, vector<1x1x512xf32>,
    %swap3A_281 = arith.constant 0 : index
    %swap3A_282 = arith.constant 7 : index
    %swap3A_283 = arith.constant 0 : index
    %swap3A_284 = vector.load %arg6[%swap3A_281, %swap3A_282, %swap3A_283] : memref<1x14x512xf32, #tpu.memory_space<vmem>>, vector<1x1x512xf32>
    %swap3A_285 = vector.shape_cast %swap3A_284 : vector<1x1x512xf32> to vector<1x512xf32>
    %swap3A_286 = vector.shape_cast %broadcast_in_dim3A_274 : vector<1x512xf32> to vector<1x1x512xf32>
    tpu.vector_store %arg6[%swap3A_281, %swap3A_282, %swap3A_283], %swap3A_286 {strides = array<i32>} : memref<1x14x512xf32, #tpu.memory_space<vmem>>, vector<1x1x512xf32>,
    %get3A_287 = arith.constant 0 : index
    %get3A_288 = arith.constant 8 : index
    %get3A_289 = arith.constant 0 : index
    %get3A_290 = arith.constant 0 : index
    %get3A_291 = vector.load %arg2[%get3A_287, %get3A_288, %get3A_289, %get3A_290] : memref<1x14x81x512xf32, #tpu.memory_space<vmem>>, vector<1x1x81x512xf32>
    %get3A_292 = vector.shape_cast %get3A_291 : vector<1x1x81x512xf32> to vector<81x512xf32>
    %jit3A_293 = arith.constant 0.000000e+00 : f32
    %broadcast_in_dim3A_294 = vector.broadcast %jit3A_293 : f32 to vector<81x512xf32>
    %select_n3A_295 = arith.select %eq3A_3, %get3A_292, %broadcast_in_dim3A_294 : vector<81x512xi1>, vector<81x512xf32>
    %reduce_sum3A_296 = arith.constant dense<0.000000e+00> : vector<512xf32>
    %reduce_sum3A_297 = vector.multi_reduction <add>, %select_n3A_295, %reduce_sum3A_296 [0] : vector<81x512xf32> to vector<512xf32>
    %broadcast_in_dim3A_298 = vector.shape_cast %reduce_sum3A_297 : vector<512xf32> to vector<1x512xf32>
    %get3A_299 = arith.constant 0 : index
    %get3A_300 = arith.constant 8 : index
    %get3A_301 = arith.constant 0 : index
    %get3A_302 = arith.constant 0 : index
    %get3A_303 = vector.load %arg3[%get3A_299, %get3A_300, %get3A_301, %get3A_302] : memref<1x14x81x512xf32, #tpu.memory_space<vmem>>, vector<1x1x81x512xf32>
    %get3A_304 = vector.shape_cast %get3A_303 : vector<1x1x81x512xf32> to vector<81x512xf32>
    %jit3A_305 = arith.constant 0.000000e+00 : f32
    %broadcast_in_dim3A_306 = vector.broadcast %jit3A_305 : f32 to vector<81x512xf32>
    %select_n3A_307 = arith.select %eq3A_3, %get3A_304, %broadcast_in_dim3A_306 : vector<81x512xi1>, vector<81x512xf32>
    %reduce_sum3A_308 = arith.constant dense<0.000000e+00> : vector<512xf32>
    %reduce_sum3A_309 = vector.multi_reduction <add>, %select_n3A_307, %reduce_sum3A_308 [0] : vector<81x512xf32> to vector<512xf32>
    %broadcast_in_dim3A_310 = vector.shape_cast %reduce_sum3A_309 : vector<512xf32> to vector<1x512xf32>
    %swap3A_311 = arith.constant 0 : index
    %swap3A_312 = arith.constant 8 : index
    %swap3A_313 = arith.constant 0 : index
    %swap3A_314 = vector.load %arg5[%swap3A_311, %swap3A_312, %swap3A_313] : memref<1x14x512xf32, #tpu.memory_space<vmem>>, vector<1x1x512xf32>
    %swap3A_315 = vector.shape_cast %swap3A_314 : vector<1x1x512xf32> to vector<1x512xf32>
    %swap3A_316 = vector.shape_cast %broadcast_in_dim3A_298 : vector<1x512xf32> to vector<1x1x512xf32>
    tpu.vector_store %arg5[%swap3A_311, %swap3A_312, %swap3A_313], %swap3A_316 {strides = array<i32>} : memref<1x14x512xf32, #tpu.memory_space<vmem>>, vector<1x1x512xf32>,
    %swap3A_317 = arith.constant 0 : index
    %swap3A_318 = arith.constant 8 : index
    %swap3A_319 = arith.constant 0 : index
    %swap3A_320 = vector.load %arg6[%swap3A_317, %swap3A_318, %swap3A_319] : memref<1x14x512xf32, #tpu.memory_space<vmem>>, vector<1x1x512xf32>
    %swap3A_321 = vector.shape_cast %swap3A_320 : vector<1x1x512xf32> to vector<1x512xf32>
    %swap3A_322 = vector.shape_cast %broadcast_in_dim3A_310 : vector<1x512xf32> to vector<1x1x512xf32>
    tpu.vector_store %arg6[%swap3A_317, %swap3A_318, %swap3A_319], %swap3A_322 {strides = array<i32>} : memref<1x14x512xf32, #tpu.memory_space<vmem>>, vector<1x1x512xf32>,
    %get3A_323 = arith.constant 0 : index
    %get3A_324 = arith.constant 9 : index
    %get3A_325 = arith.constant 0 : index
    %get3A_326 = arith.constant 0 : index
    %get3A_327 = vector.load %arg2[%get3A_323, %get3A_324, %get3A_325, %get3A_326] : memref<1x14x81x512xf32, #tpu.memory_space<vmem>>, vector<1x1x81x512xf32>
    %get3A_328 = vector.shape_cast %get3A_327 : vector<1x1x81x512xf32> to vector<81x512xf32>
    %jit3A_329 = arith.constant 0.000000e+00 : f32
    %broadcast_in_dim3A_330 = vector.broadcast %jit3A_329 : f32 to vector<81x512xf32>
    %select_n3A_331 = arith.select %eq3A_3, %get3A_328, %broadcast_in_dim3A_330 : vector<81x512xi1>, vector<81x512xf32>
    %reduce_sum3A_332 = arith.constant dense<0.000000e+00> : vector<512xf32>
    %reduce_sum3A_333 = vector.multi_reduction <add>, %select_n3A_331, %reduce_sum3A_332 [0] : vector<81x512xf32> to vector<512xf32>
    %broadcast_in_dim3A_334 = vector.shape_cast %reduce_sum3A_333 : vector<512xf32> to vector<1x512xf32>
    %get3A_335 = arith.constant 0 : index
    %get3A_336 = arith.constant 9 : index
    %get3A_337 = arith.constant 0 : index
    %get3A_338 = arith.constant 0 : index
    %get3A_339 = vector.load %arg3[%get3A_335, %get3A_336, %get3A_337, %get3A_338] : memref<1x14x81x512xf32, #tpu.memory_space<vmem>>, vector<1x1x81x512xf32>
    %get3A_340 = vector.shape_cast %get3A_339 : vector<1x1x81x512xf32> to vector<81x512xf32>
    %jit3A_341 = arith.constant 0.000000e+00 : f32
    %broadcast_in_dim3A_342 = vector.broadcast %jit3A_341 : f32 to vector<81x512xf32>
    %select_n3A_343 = arith.select %eq3A_3, %get3A_340, %broadcast_in_dim3A_342 : vector<81x512xi1>, vector<81x512xf32>
    %reduce_sum3A_344 = arith.constant dense<0.000000e+00> : vector<512xf32>
    %reduce_sum3A_345 = vector.multi_reduction <add>, %select_n3A_343, %reduce_sum3A_344 [0] : vector<81x512xf32> to vector<512xf32>
    %broadcast_in_dim3A_346 = vector.shape_cast %reduce_sum3A_345 : vector<512xf32> to vector<1x512xf32>
    %swap3A_347 = arith.constant 0 : index
    %swap3A_348 = arith.constant 9 : index
    %swap3A_349 = arith.constant 0 : index
    %swap3A_350 = vector.load %arg5[%swap3A_347, %swap3A_348, %swap3A_349] : memref<1x14x512xf32, #tpu.memory_space<vmem>>, vector<1x1x512xf32>
    %swap3A_351 = vector.shape_cast %swap3A_350 : vector<1x1x512xf32> to vector<1x512xf32>
    %swap3A_352 = vector.shape_cast %broadcast_in_dim3A_334 : vector<1x512xf32> to vector<1x1x512xf32>
    tpu.vector_store %arg5[%swap3A_347, %swap3A_348, %swap3A_349], %swap3A_352 {strides = array<i32>} : memref<1x14x512xf32, #tpu.memory_space<vmem>>, vector<1x1x512xf32>,
    %swap3A_353 = arith.constant 0 : index
    %swap3A_354 = arith.constant 9 : index
    %swap3A_355 = arith.constant 0 : index
    %swap3A_356 = vector.load %arg6[%swap3A_353, %swap3A_354, %swap3A_355] : memref<1x14x512xf32, #tpu.memory_space<vmem>>, vector<1x1x512xf32>
    %swap3A_357 = vector.shape_cast %swap3A_356 : vector<1x1x512xf32> to vector<1x512xf32>
    %swap3A_358 = vector.shape_cast %broadcast_in_dim3A_346 : vector<1x512xf32> to vector<1x1x512xf32>
    tpu.vector_store %arg6[%swap3A_353, %swap3A_354, %swap3A_355], %swap3A_358 {strides = array<i32>} : memref<1x14x512xf32, #tpu.memory_space<vmem>>, vector<1x1x512xf32>,
    %get3A_359 = arith.constant 0 : index
    %get3A_360 = arith.constant 10 : index
    %get3A_361 = arith.constant 0 : index
    %get3A_362 = arith.constant 0 : index
    %get3A_363 = vector.load %arg2[%get3A_359, %get3A_360, %get3A_361, %get3A_362] : memref<1x14x81x512xf32, #tpu.memory_space<vmem>>, vector<1x1x81x512xf32>
    %get3A_364 = vector.shape_cast %get3A_363 : vector<1x1x81x512xf32> to vector<81x512xf32>
    %jit3A_365 = arith.constant 0.000000e+00 : f32
    %broadcast_in_dim3A_366 = vector.broadcast %jit3A_365 : f32 to vector<81x512xf32>
    %select_n3A_367 = arith.select %eq3A_3, %get3A_364, %broadcast_in_dim3A_366 : vector<81x512xi1>, vector<81x512xf32>
    %reduce_sum3A_368 = arith.constant dense<0.000000e+00> : vector<512xf32>
    %reduce_sum3A_369 = vector.multi_reduction <add>, %select_n3A_367, %reduce_sum3A_368 [0] : vector<81x512xf32> to vector<512xf32>
    %broadcast_in_dim3A_370 = vector.shape_cast %reduce_sum3A_369 : vector<512xf32> to vector<1x512xf32>
    %get3A_371 = arith.constant 0 : index
    %get3A_372 = arith.constant 10 : index
    %get3A_373 = arith.constant 0 : index
    %get3A_374 = arith.constant 0 : index
    %get3A_375 = vector.load %arg3[%get3A_371, %get3A_372, %get3A_373, %get3A_374] : memref<1x14x81x512xf32, #tpu.memory_space<vmem>>, vector<1x1x81x512xf32>
    %get3A_376 = vector.shape_cast %get3A_375 : vector<1x1x81x512xf32> to vector<81x512xf32>
    %jit3A_377 = arith.constant 0.000000e+00 : f32
    %broadcast_in_dim3A_378 = vector.broadcast %jit3A_377 : f32 to vector<81x512xf32>
    %select_n3A_379 = arith.select %eq3A_3, %get3A_376, %broadcast_in_dim3A_378 : vector<81x512xi1>, vector<81x512xf32>
    %reduce_sum3A_380 = arith.constant dense<0.000000e+00> : vector<512xf32>
    %reduce_sum3A_381 = vector.multi_reduction <add>, %select_n3A_379, %reduce_sum3A_380 [0] : vector<81x512xf32> to vector<512xf32>
    %broadcast_in_dim3A_382 = vector.shape_cast %reduce_sum3A_381 : vector<512xf32> to vector<1x512xf32>
    %swap3A_383 = arith.constant 0 : index
    %swap3A_384 = arith.constant 10 : index
    %swap3A_385 = arith.constant 0 : index
    %swap3A_386 = vector.load %arg5[%swap3A_383, %swap3A_384, %swap3A_385] : memref<1x14x512xf32, #tpu.memory_space<vmem>>, vector<1x1x512xf32>
    %swap3A_387 = vector.shape_cast %swap3A_386 : vector<1x1x512xf32> to vector<1x512xf32>
    %swap3A_388 = vector.shape_cast %broadcast_in_dim3A_370 : vector<1x512xf32> to vector<1x1x512xf32>
    tpu.vector_store %arg5[%swap3A_383, %swap3A_384, %swap3A_385], %swap3A_388 {strides = array<i32>} : memref<1x14x512xf32, #tpu.memory_space<vmem>>, vector<1x1x512xf32>,
    %swap3A_389 = arith.constant 0 : index
    %swap3A_390 = arith.constant 10 : index
    %swap3A_391 = arith.constant 0 : index
    %swap3A_392 = vector.load %arg6[%swap3A_389, %swap3A_390, %swap3A_391] : memref<1x14x512xf32, #tpu.memory_space<vmem>>, vector<1x1x512xf32>
    %swap3A_393 = vector.shape_cast %swap3A_392 : vector<1x1x512xf32> to vector<1x512xf32>
    %swap3A_394 = vector.shape_cast %broadcast_in_dim3A_382 : vector<1x512xf32> to vector<1x1x512xf32>
    tpu.vector_store %arg6[%swap3A_389, %swap3A_390, %swap3A_391], %swap3A_394 {strides = array<i32>} : memref<1x14x512xf32, #tpu.memory_space<vmem>>, vector<1x1x512xf32>,
    %get3A_395 = arith.constant 0 : index
    %get3A_396 = arith.constant 11 : index
    %get3A_397 = arith.constant 0 : index
    %get3A_398 = arith.constant 0 : index
    %get3A_399 = vector.load %arg2[%get3A_395, %get3A_396, %get3A_397, %get3A_398] : memref<1x14x81x512xf32, #tpu.memory_space<vmem>>, vector<1x1x81x512xf32>
    %get3A_400 = vector.shape_cast %get3A_399 : vector<1x1x81x512xf32> to vector<81x512xf32>
    %jit3A_401 = arith.constant 0.000000e+00 : f32
    %broadcast_in_dim3A_402 = vector.broadcast %jit3A_401 : f32 to vector<81x512xf32>
    %select_n3A_403 = arith.select %eq3A_3, %get3A_400, %broadcast_in_dim3A_402 : vector<81x512xi1>, vector<81x512xf32>
    %reduce_sum3A_404 = arith.constant dense<0.000000e+00> : vector<512xf32>
    %reduce_sum3A_405 = vector.multi_reduction <add>, %select_n3A_403, %reduce_sum3A_404 [0] : vector<81x512xf32> to vector<512xf32>
    %broadcast_in_dim3A_406 = vector.shape_cast %reduce_sum3A_405 : vector<512xf32> to vector<1x512xf32>
    %get3A_407 = arith.constant 0 : index
    %get3A_408 = arith.constant 11 : index
    %get3A_409 = arith.constant 0 : index
    %get3A_410 = arith.constant 0 : index
    %get3A_411 = vector.load %arg3[%get3A_407, %get3A_408, %get3A_409, %get3A_410] : memref<1x14x81x512xf32, #tpu.memory_space<vmem>>, vector<1x1x81x512xf32>
    %get3A_412 = vector.shape_cast %get3A_411 : vector<1x1x81x512xf32> to vector<81x512xf32>
    %jit3A_413 = arith.constant 0.000000e+00 : f32
    %broadcast_in_dim3A_414 = vector.broadcast %jit3A_413 : f32 to vector<81x512xf32>
    %select_n3A_415 = arith.select %eq3A_3, %get3A_412, %broadcast_in_dim3A_414 : vector<81x512xi1>, vector<81x512xf32>
    %reduce_sum3A_416 = arith.constant dense<0.000000e+00> : vector<512xf32>
    %reduce_sum3A_417 = vector.multi_reduction <add>, %select_n3A_415, %reduce_sum3A_416 [0] : vector<81x512xf32> to vector<512xf32>
    %broadcast_in_dim3A_418 = vector.shape_cast %reduce_sum3A_417 : vector<512xf32> to vector<1x512xf32>
    %swap3A_419 = arith.constant 0 : index
    %swap3A_420 = arith.constant 11 : index
    %swap3A_421 = arith.constant 0 : index
    %swap3A_422 = vector.load %arg5[%swap3A_419, %swap3A_420, %swap3A_421] : memref<1x14x512xf32, #tpu.memory_space<vmem>>, vector<1x1x512xf32>
    %swap3A_423 = vector.shape_cast %swap3A_422 : vector<1x1x512xf32> to vector<1x512xf32>
    %swap3A_424 = vector.shape_cast %broadcast_in_dim3A_406 : vector<1x512xf32> to vector<1x1x512xf32>
    tpu.vector_store %arg5[%swap3A_419, %swap3A_420, %swap3A_421], %swap3A_424 {strides = array<i32>} : memref<1x14x512xf32, #tpu.memory_space<vmem>>, vector<1x1x512xf32>,
    %swap3A_425 = arith.constant 0 : index
    %swap3A_426 = arith.constant 11 : index
    %swap3A_427 = arith.constant 0 : index
    %swap3A_428 = vector.load %arg6[%swap3A_425, %swap3A_426, %swap3A_427] : memref<1x14x512xf32, #tpu.memory_space<vmem>>, vector<1x1x512xf32>
    %swap3A_429 = vector.shape_cast %swap3A_428 : vector<1x1x512xf32> to vector<1x512xf32>
    %swap3A_430 = vector.shape_cast %broadcast_in_dim3A_418 : vector<1x512xf32> to vector<1x1x512xf32>
    tpu.vector_store %arg6[%swap3A_425, %swap3A_426, %swap3A_427], %swap3A_430 {strides = array<i32>} : memref<1x14x512xf32, #tpu.memory_space<vmem>>, vector<1x1x512xf32>,
    %get3A_431 = arith.constant 0 : index
    %get3A_432 = arith.constant 12 : index
    %get3A_433 = arith.constant 0 : index
    %get3A_434 = arith.constant 0 : index
    %get3A_435 = vector.load %arg2[%get3A_431, %get3A_432, %get3A_433, %get3A_434] : memref<1x14x81x512xf32, #tpu.memory_space<vmem>>, vector<1x1x81x512xf32>
    %get3A_436 = vector.shape_cast %get3A_435 : vector<1x1x81x512xf32> to vector<81x512xf32>
    %jit3A_437 = arith.constant 0.000000e+00 : f32
    %broadcast_in_dim3A_438 = vector.broadcast %jit3A_437 : f32 to vector<81x512xf32>
    %select_n3A_439 = arith.select %eq3A_3, %get3A_436, %broadcast_in_dim3A_438 : vector<81x512xi1>, vector<81x512xf32>
    %reduce_sum3A_440 = arith.constant dense<0.000000e+00> : vector<512xf32>
    %reduce_sum3A_441 = vector.multi_reduction <add>, %select_n3A_439, %reduce_sum3A_440 [0] : vector<81x512xf32> to vector<512xf32>
    %broadcast_in_dim3A_442 = vector.shape_cast %reduce_sum3A_441 : vector<512xf32> to vector<1x512xf32>
    %get3A_443 = arith.constant 0 : index
    %get3A_444 = arith.constant 12 : index
    %get3A_445 = arith.constant 0 : index
    %get3A_446 = arith.constant 0 : index
    %get3A_447 = vector.load %arg3[%get3A_443, %get3A_444, %get3A_445, %get3A_446] : memref<1x14x81x512xf32, #tpu.memory_space<vmem>>, vector<1x1x81x512xf32>
    %get3A_448 = vector.shape_cast %get3A_447 : vector<1x1x81x512xf32> to vector<81x512xf32>
    %jit3A_449 = arith.constant 0.000000e+00 : f32
    %broadcast_in_dim3A_450 = vector.broadcast %jit3A_449 : f32 to vector<81x512xf32>
    %select_n3A_451 = arith.select %eq3A_3, %get3A_448, %broadcast_in_dim3A_450 : vector<81x512xi1>, vector<81x512xf32>
    %reduce_sum3A_452 = arith.constant dense<0.000000e+00> : vector<512xf32>
    %reduce_sum3A_453 = vector.multi_reduction <add>, %select_n3A_451, %reduce_sum3A_452 [0] : vector<81x512xf32> to vector<512xf32>
    %broadcast_in_dim3A_454 = vector.shape_cast %reduce_sum3A_453 : vector<512xf32> to vector<1x512xf32>
    %swap3A_455 = arith.constant 0 : index
    %swap3A_456 = arith.constant 12 : index
    %swap3A_457 = arith.constant 0 : index
    %swap3A_458 = vector.load %arg5[%swap3A_455, %swap3A_456, %swap3A_457] : memref<1x14x512xf32, #tpu.memory_space<vmem>>, vector<1x1x512xf32>
    %swap3A_459 = vector.shape_cast %swap3A_458 : vector<1x1x512xf32> to vector<1x512xf32>
    %swap3A_460 = vector.shape_cast %broadcast_in_dim3A_442 : vector<1x512xf32> to vector<1x1x512xf32>
    tpu.vector_store %arg5[%swap3A_455, %swap3A_456, %swap3A_457], %swap3A_460 {strides = array<i32>} : memref<1x14x512xf32, #tpu.memory_space<vmem>>, vector<1x1x512xf32>,
    %swap3A_461 = arith.constant 0 : index
    %swap3A_462 = arith.constant 12 : index
    %swap3A_463 = arith.constant 0 : index
    %swap3A_464 = vector.load %arg6[%swap3A_461, %swap3A_462, %swap3A_463] : memref<1x14x512xf32, #tpu.memory_space<vmem>>, vector<1x1x512xf32>
    %swap3A_465 = vector.shape_cast %swap3A_464 : vector<1x1x512xf32> to vector<1x512xf32>
    %swap3A_466 = vector.shape_cast %broadcast_in_dim3A_454 : vector<1x512xf32> to vector<1x1x512xf32>
    tpu.vector_store %arg6[%swap3A_461, %swap3A_462, %swap3A_463], %swap3A_466 {strides = array<i32>} : memref<1x14x512xf32, #tpu.memory_space<vmem>>, vector<1x1x512xf32>,
    %get3A_467 = arith.constant 0 : index
    %get3A_468 = arith.constant 13 : index
    %get3A_469 = arith.constant 0 : index
    %get3A_470 = arith.constant 0 : index
    %get3A_471 = vector.load %arg2[%get3A_467, %get3A_468, %get3A_469, %get3A_470] : memref<1x14x81x512xf32, #tpu.memory_space<vmem>>, vector<1x1x81x512xf32>
    %get3A_472 = vector.shape_cast %get3A_471 : vector<1x1x81x512xf32> to vector<81x512xf32>
    %jit3A_473 = arith.constant 0.000000e+00 : f32
    %broadcast_in_dim3A_474 = vector.broadcast %jit3A_473 : f32 to vector<81x512xf32>
    %select_n3A_475 = arith.select %eq3A_3, %get3A_472, %broadcast_in_dim3A_474 : vector<81x512xi1>, vector<81x512xf32>
    %reduce_sum3A_476 = arith.constant dense<0.000000e+00> : vector<512xf32>
    %reduce_sum3A_477 = vector.multi_reduction <add>, %select_n3A_475, %reduce_sum3A_476 [0] : vector<81x512xf32> to vector<512xf32>
    %broadcast_in_dim3A_478 = vector.shape_cast %reduce_sum3A_477 : vector<512xf32> to vector<1x512xf32>
    %get3A_479 = arith.constant 0 : index
    %get3A_480 = arith.constant 13 : index
    %get3A_481 = arith.constant 0 : index
    %get3A_482 = arith.constant 0 : index
    %get3A_483 = vector.load %arg3[%get3A_479, %get3A_480, %get3A_481, %get3A_482] : memref<1x14x81x512xf32, #tpu.memory_space<vmem>>, vector<1x1x81x512xf32>
    %get3A_484 = vector.shape_cast %get3A_483 : vector<1x1x81x512xf32> to vector<81x512xf32>
    %jit3A_485 = arith.constant 0.000000e+00 : f32
    %broadcast_in_dim3A_486 = vector.broadcast %jit3A_485 : f32 to vector<81x512xf32>
    %select_n3A_487 = arith.select %eq3A_3, %get3A_484, %broadcast_in_dim3A_486 : vector<81x512xi1>, vector<81x512xf32>
    %reduce_sum3A_488 = arith.constant dense<0.000000e+00> : vector<512xf32>
    %reduce_sum3A_489 = vector.multi_reduction <add>, %select_n3A_487, %reduce_sum3A_488 [0] : vector<81x512xf32> to vector<512xf32>
    %broadcast_in_dim3A_490 = vector.shape_cast %reduce_sum3A_489 : vector<512xf32> to vector<1x512xf32>
    %swap3A_491 = arith.constant 0 : index
    %swap3A_492 = arith.constant 13 : index
    %swap3A_493 = arith.constant 0 : index
    %swap3A_494 = vector.load %arg5[%swap3A_491, %swap3A_492, %swap3A_493] : memref<1x14x512xf32, #tpu.memory_space<vmem>>, vector<1x1x512xf32>
    %swap3A_495 = vector.shape_cast %swap3A_494 : vector<1x1x512xf32> to vector<1x512xf32>
    %swap3A_496 = vector.shape_cast %broadcast_in_dim3A_478 : vector<1x512xf32> to vector<1x1x512xf32>
    tpu.vector_store %arg5[%swap3A_491, %swap3A_492, %swap3A_493], %swap3A_496 {strides = array<i32>} : memref<1x14x512xf32, #tpu.memory_space<vmem>>, vector<1x1x512xf32>,
    %swap3A_497 = arith.constant 0 : index
    %swap3A_498 = arith.constant 13 : index
    %swap3A_499 = arith.constant 0 : index
    %swap3A_500 = vector.load %arg6[%swap3A_497, %swap3A_498, %swap3A_499] : memref<1x14x512xf32, #tpu.memory_space<vmem>>, vector<1x1x512xf32>
    %swap3A_501 = vector.shape_cast %swap3A_500 : vector<1x1x512xf32> to vector<1x512xf32>
    %swap3A_502 = vector.shape_cast %broadcast_in_dim3A_490 : vector<1x512xf32> to vector<1x1x512xf32>
    tpu.vector_store %arg6[%swap3A_497, %swap3A_498, %swap3A_499], %swap3A_502 {strides = array<i32>} : memref<1x14x512xf32, #tpu.memory_space<vmem>>, vector<1x1x512xf32>,
    return
  }
  func.func @transform_0(%arg0: i32, %arg1: i32) -> (i32, i32, i32, i32) {
    %c0_i32 = arith.constant 0 : i32
    %c0_i32_0 = arith.constant 0 : i32
    %c0_i32_1 = arith.constant 0 : i32
    return %arg1, %c0_i32, %c0_i32_0, %arg0 : i32, i32, i32, i32
  }
  func.func @transform_1(%arg0: i32, %arg1: i32) -> (i32, i32, i32, i32) {
    %c0_i32 = arith.constant 0 : i32
    %c0_i32_0 = arith.constant 0 : i32
    %c0_i32_1 = arith.constant 0 : i32
    return %arg1, %c0_i32, %c0_i32_0, %arg0 : i32, i32, i32, i32
  }
  func.func @transform_2(%arg0: i32, %arg1: i32) -> (i32, i32) {
    %c0_i32 = arith.constant 0 : i32
    %c0_i32_0 = arith.constant 0 : i32
    return %c0_i32, %arg0 : i32, i32
  }
  func.func @transform_3(%arg0: i32, %arg1: i32) -> (i32, i32, i32) {
    %c0_i32 = arith.constant 0 : i32
    %c0_i32_0 = arith.constant 0 : i32
    return %arg1, %c0_i32, %arg0 : i32, i32, i32
  }
  func.func @transform_4(%arg0: i32, %arg1: i32) -> (i32, i32, i32) {
    %c0_i32 = arith.constant 0 : i32
    %c0_i32_0 = arith.constant 0 : i32
    return %arg1, %c0_i32, %arg0 : i32, i32, i32
  }
}

module attributes {stable_mosaic.version = 14 : i64} {
  func.func @_tc_nms_body(%arg0: memref<5120x196xf32, #tpu.memory_space<vmem>>, %arg1: memref<5120x196xf32, #tpu.memory_space<vmem>>, %arg2: memref<5120x1xf32, #tpu.memory_space<vmem>>, %arg3: memref<5120x1xf32, #tpu.memory_space<vmem>>, %arg4: memref<5120x196xf32, #tpu.memory_space<vmem>>, %arg5: memref<5120x196xf32, #tpu.memory_space<vmem>>, %arg6: memref<5120x196xbf16, #tpu.memory_space<vmem>>, %arg7: memref<512x5120xf32, #tpu.memory_space<vmem>>, %arg8: memref<1x5120xi32, #tpu.memory_space<vmem>>, %arg9: memref<1x5120xi32, #tpu.memory_space<vmem>>) attributes {dimension_semantics = [], scalar_prefetch = 0 : i64, scratch_operands = 4 : i64, tpu.core_type = #tpu.core_type<tc>} {
    %get3A = arith.constant 0 : index
    %get3A_0 = arith.constant 0 : index
    %get3A_1 = vector.load %arg0[%get3A, %get3A_0] : memref<5120x196xf32, #tpu.memory_space<vmem>>, vector<5120x196xf32>
    %logistic3A = arith.negf %get3A_1 : vector<5120x196xf32>
    %logistic3A_2 = math.exp %logistic3A : vector<5120x196xf32>
    %logistic3A_3 = arith.constant 1.000000e+00 : f32
    %logistic3A_4 = vector.broadcast %logistic3A_3 : f32 to vector<5120x196xf32>
    %logistic3A_5 = arith.addf %logistic3A_4, %logistic3A_2 : vector<5120x196xf32>
    %logistic3A_6 = arith.divf %logistic3A_4, %logistic3A_5 : vector<5120x196xf32>
    %swap3A = arith.constant 0 : index
    %swap3A_7 = arith.constant 0 : index
    %swap3A_8 = vector.load %arg4[%swap3A, %swap3A_7] : memref<5120x196xf32, #tpu.memory_space<vmem>>, vector<5120x196xf32>
    tpu.vector_store %arg4[%swap3A, %swap3A_7], %logistic3A_6 {strides = array<i32>} : memref<5120x196xf32, #tpu.memory_space<vmem>>, vector<5120x196xf32>,
    %get3A_9 = arith.constant 0 : index
    %get3A_10 = arith.constant 0 : index
    %get3A_11 = vector.load %arg1[%get3A_9, %get3A_10] : memref<5120x196xf32, #tpu.memory_space<vmem>>, vector<5120x196xf32>
    %logistic3A_12 = arith.negf %get3A_11 : vector<5120x196xf32>
    %logistic3A_13 = math.exp %logistic3A_12 : vector<5120x196xf32>
    %logistic3A_14 = arith.constant 1.000000e+00 : f32
    %logistic3A_15 = vector.broadcast %logistic3A_14 : f32 to vector<5120x196xf32>
    %logistic3A_16 = arith.addf %logistic3A_15, %logistic3A_13 : vector<5120x196xf32>
    %logistic3A_17 = arith.divf %logistic3A_15, %logistic3A_16 : vector<5120x196xf32>
    %swap3A_18 = arith.constant 0 : index
    %swap3A_19 = arith.constant 0 : index
    %swap3A_20 = vector.load %arg5[%swap3A_18, %swap3A_19] : memref<5120x196xf32, #tpu.memory_space<vmem>>, vector<5120x196xf32>
    tpu.vector_store %arg5[%swap3A_18, %swap3A_19], %logistic3A_17 {strides = array<i32>} : memref<5120x196xf32, #tpu.memory_space<vmem>>, vector<5120x196xf32>,
    %iota3A = tpu.iota {dimensions = array<i32: 1>} : vector<1x5120xi32>
    %get3A_21 = arith.constant 0 : index
    %get3A_22 = arith.constant 0 : index
    %get3A_23 = vector.load %arg4[%get3A_21, %get3A_22] : memref<5120x196xf32, #tpu.memory_space<vmem>>, vector<5120x196xf32>
    %convert_element_type3A = arith.truncf %get3A_23 : vector<5120x196xf32> to vector<5120x196xbf16>
    %swap3A_24 = arith.constant 0 : index
    %swap3A_25 = arith.constant 0 : index
    %swap3A_26 = vector.load %arg6[%swap3A_24, %swap3A_25] : memref<5120x196xbf16, #tpu.memory_space<vmem>>, vector<5120x196xbf16>
    tpu.vector_store %arg6[%swap3A_24, %swap3A_25], %convert_element_type3A {strides = array<i32>} : memref<5120x196xbf16, #tpu.memory_space<vmem>>, vector<5120x196xbf16>,
    %broadcast_in_dim3A = arith.constant 1 : i32
    %broadcast_in_dim3A_27 = vector.broadcast %broadcast_in_dim3A : i32 to vector<1x5120xi32>
    %swap3A_28 = arith.constant 0 : index
    %swap3A_29 = arith.constant 0 : index
    %swap3A_30 = vector.load %arg8[%swap3A_28, %swap3A_29] : memref<1x5120xi32, #tpu.memory_space<vmem>>, vector<1x5120xi32>
    tpu.vector_store %arg8[%swap3A_28, %swap3A_29], %broadcast_in_dim3A_27 {strides = array<i32>} : memref<1x5120xi32, #tpu.memory_space<vmem>>, vector<1x5120xi32>,
    %while3A = arith.constant 0 : i32
    %while3A_31 = arith.constant -1 : i32
    %while3A_32:2 = scf.while (%while3A_71 = %while3A, %while3A_72 = %while3A_31) : (i32, i32) -> (i32, i32) {
      %lt3A = arith.constant 5000 : i32
      %lt3A_73 = arith.cmpi slt, %while3A_71, %lt3A : i32
      scf.condition(%lt3A_73) %while3A_71, %while3A_72 : i32, i32
    } do {
    ^bb0(%while3A_71: i32, %while3A_72: i32):
      %jit3A = arith.constant 512 : i32
      %div3A = arith.divsi %while3A_71, %jit3A : i32
      %sign3A = arith.constant 0 : i32
      %sign3A_73 = arith.cmpi sgt, %while3A_71, %sign3A : i32
      %sign3A_74 = arith.extui %sign3A_73 : i1 to i32
      %sign3A_75 = arith.constant 0 : i32
      %sign3A_76 = arith.cmpi slt, %while3A_71, %sign3A_75 : i32
      %sign3A_77 = arith.extui %sign3A_76 : i1 to i32
      %sign3A_78 = arith.subi %sign3A_74, %sign3A_77 : i32
      %sign3A_79 = arith.constant 0 : i32
      %sign3A_80 = arith.cmpi sgt, %jit3A, %sign3A_79 : i32
      %sign3A_81 = arith.extui %sign3A_80 : i1 to i32
      %sign3A_82 = arith.constant 0 : i32
      %sign3A_83 = arith.cmpi slt, %jit3A, %sign3A_82 : i32
      %sign3A_84 = arith.extui %sign3A_83 : i1 to i32
      %sign3A_85 = arith.subi %sign3A_81, %sign3A_84 : i32
      %ne3A = arith.cmpi ne, %sign3A_78, %sign3A_85 : i32
      %rem3A = arith.remsi %while3A_71, %jit3A : i32
      %ne3A_86 = arith.constant 0 : i32
      %ne3A_87 = arith.cmpi ne, %rem3A, %ne3A_86 : i32
      %and3A = arith.andi %ne3A, %ne3A_87 : i1
      %sub3A = arith.constant 1 : i32
      %sub3A_88 = arith.subi %div3A, %sub3A : i32
      %select_n3A = arith.select %and3A, %sub3A_88, %div3A : i32
      %mul3A_89 = arith.constant 512 : i32
      %mul3A_90 = arith.muli %select_n3A, %mul3A_89 : i32
      %multiple_of3A = tpu.assume_multiple %mul3A_90, 512 : i32
      %ne3A_91 = arith.cmpi ne, %select_n3A, %while3A_72 : i32
      %convert_element_type3A_92 = arith.extui %ne3A_91 : i1 to i32
      %cond3A = arith.constant 0 : i32
      %cond3A_93 = arith.cmpi ne, %convert_element_type3A_92, %cond3A : i32
      scf.if %cond3A_93 {
        %get3A_561 = arith.index_cast %multiple_of3A : i32 to index
        %get3A_562 = arith.constant 0 : index
        %get3A_563 = vector.load %arg6[%get3A_561, %get3A_562] : memref<5120x196xbf16, #tpu.memory_space<vmem>>, vector<512x196xbf16>
        %get3A_564 = arith.constant 0 : index
        %get3A_565 = arith.constant 0 : index
        %get3A_566 = vector.load %arg6[%get3A_564, %get3A_565] : memref<5120x196xbf16, #tpu.memory_space<vmem>>, vector<5120x196xbf16>
        %dot_general3A = arith.constant dense<0.000000e+00> : vector<512x5120xf32>
        %dot_general3A_567 = tpu.matmul %get3A_563, %get3A_566, %dot_general3A {dimension_numbers = #tpu.dot_dimension_numbers<[1], [1], [0], [0], [0, 0, 1, 0], [], []>, transpose_lhs_hint = false} : vector<512x196xbf16>, vector<5120x196xbf16>, vector<512x5120xf32> -> vector<512x5120xf32>
        %get3A_568 = arith.index_cast %multiple_of3A : i32 to index
        %get3A_569 = arith.constant 0 : index
        %get3A_570 = vector.load %arg2[%get3A_568, %get3A_569] : memref<5120x1xf32, #tpu.memory_space<vmem>>, vector<512x1xf32>
        %add3A = arith.constant 9.99999974E-5 : f32
        %add3A_571 = vector.broadcast %add3A : f32 to vector<512x1xf32>
        %add3A_572 = arith.addf %get3A_570, %add3A_571 : vector<512x1xf32>
        %div3A_573 = vector.broadcast %add3A_572 : vector<512x1xf32> to vector<512x5120xf32>
        %div3A_574 = arith.divf %dot_general3A_567, %div3A_573 : vector<512x5120xf32>
        %ge3A = arith.constant 5.000000e-01 : f32
        %ge3A_575 = vector.broadcast %ge3A : f32 to vector<512x5120xf32>
        %ge3A_576 = arith.cmpf oge, %div3A_574, %ge3A_575 : vector<512x5120xf32>
        %jit3A_577 = arith.constant 1.000000e+00 : f32
        %jit3A_578 = arith.constant 0.000000e+00 : f32
        %broadcast_in_dim3A_579 = vector.broadcast %jit3A_577 : f32 to vector<512x5120xf32>
        %broadcast_in_dim3A_580 = vector.broadcast %jit3A_578 : f32 to vector<512x5120xf32>
        %select_n3A_581 = arith.select %ge3A_576, %broadcast_in_dim3A_579, %broadcast_in_dim3A_580 : vector<512x5120xi1>, vector<512x5120xf32>
        %swap3A_582 = arith.constant 0 : index
        %swap3A_583 = arith.constant 0 : index
        %swap3A_584 = vector.load %arg7[%swap3A_582, %swap3A_583] : memref<512x5120xf32, #tpu.memory_space<vmem>>, vector<512x5120xf32>
        tpu.vector_store %arg7[%swap3A_582, %swap3A_583], %select_n3A_581 {strides = array<i32>} : memref<512x5120xf32, #tpu.memory_space<vmem>>, vector<512x5120xf32>,
      } else {
      }
      %get3A_94 = arith.constant 0 : index
      %get3A_95 = arith.constant 0 : index
      %get3A_96 = vector.load %arg8[%get3A_94, %get3A_95] : memref<1x5120xi32, #tpu.memory_space<vmem>>, vector<1x5120xi32>
      %sub3A_97 = arith.subi %while3A_71, %multiple_of3A : i32
      %get3A_98 = arith.index_cast %sub3A_97 : i32 to index
      %get3A_99 = arith.constant 0 : index
      %get3A_100 = vector.load %arg7[%get3A_98, %get3A_99] : memref<512x5120xf32, #tpu.memory_space<vmem>>, vector<1x5120xf32>
      %gt3A = arith.constant 0.000000e+00 : f32
      %gt3A_101 = vector.broadcast %gt3A : f32 to vector<1x5120xf32>
      %gt3A_102 = arith.cmpf ogt, %get3A_100, %gt3A_101 : vector<1x5120xf32>
      %gt3A_103 = vector.broadcast %while3A_71 : i32 to vector<1x5120xi32>
      %gt3A_104 = arith.cmpi sgt, %iota3A, %gt3A_103 : vector<1x5120xi32>
      %and3A_105 = arith.andi %gt3A_102, %gt3A_104 : vector<1x5120xi1>
      %jit3A_106 = arith.constant 0 : i32
      %broadcast_in_dim3A_107 = vector.broadcast %jit3A_106 : i32 to vector<1x5120xi32>
      %select_n3A_108 = arith.select %and3A_105, %broadcast_in_dim3A_107, %get3A_96 : vector<1x5120xi1>, vector<1x5120xi32>
      %gt3A_109 = arith.constant 0 : i32
      %gt3A_110 = vector.broadcast %gt3A_109 : i32 to vector<1x5120xi32>
      %gt3A_111 = arith.cmpi sgt, %select_n3A_108, %gt3A_110 : vector<1x5120xi32>
      %gt3A_112 = vector.broadcast %while3A_71 : i32 to vector<1x5120xi32>
      %gt3A_113 = arith.cmpi sgt, %iota3A, %gt3A_112 : vector<1x5120xi32>
      %and3A_114 = arith.andi %gt3A_111, %gt3A_113 : vector<1x5120xi1>
      %lt3A = arith.constant 5000 : i32
      %lt3A_115 = vector.broadcast %lt3A : i32 to vector<1x5120xi32>
      %lt3A_116 = arith.cmpi slt, %iota3A, %lt3A_115 : vector<1x5120xi32>
      %and3A_117 = arith.andi %and3A_114, %lt3A_116 : vector<1x5120xi1>
      %jit3A_118 = arith.constant 5000 : i32
      %broadcast_in_dim3A_119 = vector.broadcast %jit3A_118 : i32 to vector<1x5120xi32>
      %select_n3A_120 = arith.select %and3A_117, %iota3A, %broadcast_in_dim3A_119 : vector<1x5120xi1>, vector<1x5120xi32>
      %reduce_min3A = vector.shape_cast %select_n3A_120 : vector<1x5120xi32> to vector<1x1x5120xi32>
      %reduce_min3A_121 = arith.constant dense<2147483647> : vector<1xi32>
      %reduce_min3A_122 = vector.multi_reduction <minsi>, %reduce_min3A, %reduce_min3A_121 [1, 2] : vector<1x1x5120xi32> to vector<1xi32>
      %reduce_min3A_123 = vector.shape_cast %reduce_min3A_122 : vector<1xi32> to vector<1x1x1xi32>
      %reduce_min3A_124 = vector.extract %reduce_min3A_123[0, 0, 0] : i32 from vector<1x1x1xi32>
      %lt3A_125 = arith.constant 5000 : i32
      %lt3A_126 = arith.cmpi slt, %reduce_min3A_124, %lt3A_125 : i32
      %jit3A_127 = arith.constant 512 : i32
      %div3A_128 = arith.divsi %reduce_min3A_124, %jit3A_127 : i32
      %sign3A_129 = arith.constant 0 : i32
      %sign3A_130 = arith.cmpi sgt, %reduce_min3A_124, %sign3A_129 : i32
      %sign3A_131 = arith.extui %sign3A_130 : i1 to i32
      %sign3A_132 = arith.constant 0 : i32
      %sign3A_133 = arith.cmpi slt, %reduce_min3A_124, %sign3A_132 : i32
      %sign3A_134 = arith.extui %sign3A_133 : i1 to i32
      %sign3A_135 = arith.subi %sign3A_131, %sign3A_134 : i32
      %sign3A_136 = arith.constant 0 : i32
      %sign3A_137 = arith.cmpi sgt, %jit3A_127, %sign3A_136 : i32
      %sign3A_138 = arith.extui %sign3A_137 : i1 to i32
      %sign3A_139 = arith.constant 0 : i32
      %sign3A_140 = arith.cmpi slt, %jit3A_127, %sign3A_139 : i32
      %sign3A_141 = arith.extui %sign3A_140 : i1 to i32
      %sign3A_142 = arith.subi %sign3A_138, %sign3A_141 : i32
      %ne3A_143 = arith.cmpi ne, %sign3A_135, %sign3A_142 : i32
      %rem3A_144 = arith.remsi %reduce_min3A_124, %jit3A_127 : i32
      %ne3A_145 = arith.constant 0 : i32
      %ne3A_146 = arith.cmpi ne, %rem3A_144, %ne3A_145 : i32
      %and3A_147 = arith.andi %ne3A_143, %ne3A_146 : i1
      %sub3A_148 = arith.constant 1 : i32
      %sub3A_149 = arith.subi %div3A_128, %sub3A_148 : i32
      %select_n3A_150 = arith.select %and3A_147, %sub3A_149, %div3A_128 : i32
      %eq3A = arith.cmpi eq, %select_n3A_150, %select_n3A : i32
      %and3A_151 = arith.andi %lt3A_126, %eq3A : i1
      %select_n3A_152 = arith.select %and3A_151, %reduce_min3A_124, %multiple_of3A : i32
      %sub3A_153 = arith.subi %select_n3A_152, %multiple_of3A : i32
      %get3A_154 = arith.index_cast %sub3A_153 : i32 to index
      %get3A_155 = arith.constant 0 : index
      %get3A_156 = vector.load %arg7[%get3A_154, %get3A_155] : memref<512x5120xf32, #tpu.memory_space<vmem>>, vector<1x5120xf32>
      %gt3A_157 = arith.constant 0.000000e+00 : f32
      %gt3A_158 = vector.broadcast %gt3A_157 : f32 to vector<1x5120xf32>
      %gt3A_159 = arith.cmpf ogt, %get3A_156, %gt3A_158 : vector<1x5120xf32>
      %gt3A_160 = vector.broadcast %select_n3A_152 : i32 to vector<1x5120xi32>
      %gt3A_161 = arith.cmpi sgt, %iota3A, %gt3A_160 : vector<1x5120xi32>
      %and3A_162 = arith.andi %gt3A_159, %gt3A_161 : vector<1x5120xi1>
      %jit3A_163 = arith.constant 0 : i32
      %broadcast_in_dim3A_164 = vector.broadcast %jit3A_163 : i32 to vector<1x5120xi32>
      %select_n3A_165 = arith.select %and3A_162, %broadcast_in_dim3A_164, %select_n3A_108 : vector<1x5120xi1>, vector<1x5120xi32>
      %gt3A_166 = arith.constant 0 : i32
      %gt3A_167 = vector.broadcast %gt3A_166 : i32 to vector<1x5120xi32>
      %gt3A_168 = arith.cmpi sgt, %select_n3A_165, %gt3A_167 : vector<1x5120xi32>
      %gt3A_169 = vector.broadcast %select_n3A_152 : i32 to vector<1x5120xi32>
      %gt3A_170 = arith.cmpi sgt, %iota3A, %gt3A_169 : vector<1x5120xi32>
      %and3A_171 = arith.andi %gt3A_168, %gt3A_170 : vector<1x5120xi1>
      %lt3A_172 = arith.constant 5000 : i32
      %lt3A_173 = vector.broadcast %lt3A_172 : i32 to vector<1x5120xi32>
      %lt3A_174 = arith.cmpi slt, %iota3A, %lt3A_173 : vector<1x5120xi32>
      %and3A_175 = arith.andi %and3A_171, %lt3A_174 : vector<1x5120xi1>
      %jit3A_176 = arith.constant 5000 : i32
      %broadcast_in_dim3A_177 = vector.broadcast %jit3A_176 : i32 to vector<1x5120xi32>
      %select_n3A_178 = arith.select %and3A_175, %iota3A, %broadcast_in_dim3A_177 : vector<1x5120xi1>, vector<1x5120xi32>
      %reduce_min3A_179 = vector.shape_cast %select_n3A_178 : vector<1x5120xi32> to vector<1x1x5120xi32>
      %reduce_min3A_180 = arith.constant dense<2147483647> : vector<1xi32>
      %reduce_min3A_181 = vector.multi_reduction <minsi>, %reduce_min3A_179, %reduce_min3A_180 [1, 2] : vector<1x1x5120xi32> to vector<1xi32>
      %reduce_min3A_182 = vector.shape_cast %reduce_min3A_181 : vector<1xi32> to vector<1x1x1xi32>
      %reduce_min3A_183 = vector.extract %reduce_min3A_182[0, 0, 0] : i32 from vector<1x1x1xi32>
      %select_n3A_184 = arith.select %and3A_151, %select_n3A_165, %select_n3A_108 : vector<1x5120xi32>
      %select_n3A_185 = arith.select %and3A_151, %reduce_min3A_183, %reduce_min3A_124 : i32
      %lt3A_186 = arith.constant 5000 : i32
      %lt3A_187 = arith.cmpi slt, %select_n3A_185, %lt3A_186 : i32
      %jit3A_188 = arith.constant 512 : i32
      %div3A_189 = arith.divsi %select_n3A_185, %jit3A_188 : i32
      %sign3A_190 = arith.constant 0 : i32
      %sign3A_191 = arith.cmpi sgt, %select_n3A_185, %sign3A_190 : i32
      %sign3A_192 = arith.extui %sign3A_191 : i1 to i32
      %sign3A_193 = arith.constant 0 : i32
      %sign3A_194 = arith.cmpi slt, %select_n3A_185, %sign3A_193 : i32
      %sign3A_195 = arith.extui %sign3A_194 : i1 to i32
      %sign3A_196 = arith.subi %sign3A_192, %sign3A_195 : i32
      %sign3A_197 = arith.constant 0 : i32
      %sign3A_198 = arith.cmpi sgt, %jit3A_188, %sign3A_197 : i32
      %sign3A_199 = arith.extui %sign3A_198 : i1 to i32
      %sign3A_200 = arith.constant 0 : i32
      %sign3A_201 = arith.cmpi slt, %jit3A_188, %sign3A_200 : i32
      %sign3A_202 = arith.extui %sign3A_201 : i1 to i32
      %sign3A_203 = arith.subi %sign3A_199, %sign3A_202 : i32
      %ne3A_204 = arith.cmpi ne, %sign3A_196, %sign3A_203 : i32
      %rem3A_205 = arith.remsi %select_n3A_185, %jit3A_188 : i32
      %ne3A_206 = arith.constant 0 : i32
      %ne3A_207 = arith.cmpi ne, %rem3A_205, %ne3A_206 : i32
      %and3A_208 = arith.andi %ne3A_204, %ne3A_207 : i1
      %sub3A_209 = arith.constant 1 : i32
      %sub3A_210 = arith.subi %div3A_189, %sub3A_209 : i32
      %select_n3A_211 = arith.select %and3A_208, %sub3A_210, %div3A_189 : i32
      %eq3A_212 = arith.cmpi eq, %select_n3A_211, %select_n3A : i32
      %and3A_213 = arith.andi %lt3A_187, %eq3A_212 : i1
      %select_n3A_214 = arith.select %and3A_213, %select_n3A_185, %multiple_of3A : i32
      %sub3A_215 = arith.subi %select_n3A_214, %multiple_of3A : i32
      %get3A_216 = arith.index_cast %sub3A_215 : i32 to index
      %get3A_217 = arith.constant 0 : index
      %get3A_218 = vector.load %arg7[%get3A_216, %get3A_217] : memref<512x5120xf32, #tpu.memory_space<vmem>>, vector<1x5120xf32>
      %gt3A_219 = arith.constant 0.000000e+00 : f32
      %gt3A_220 = vector.broadcast %gt3A_219 : f32 to vector<1x5120xf32>
      %gt3A_221 = arith.cmpf ogt, %get3A_218, %gt3A_220 : vector<1x5120xf32>
      %gt3A_222 = vector.broadcast %select_n3A_214 : i32 to vector<1x5120xi32>
      %gt3A_223 = arith.cmpi sgt, %iota3A, %gt3A_222 : vector<1x5120xi32>
      %and3A_224 = arith.andi %gt3A_221, %gt3A_223 : vector<1x5120xi1>
      %jit3A_225 = arith.constant 0 : i32
      %broadcast_in_dim3A_226 = vector.broadcast %jit3A_225 : i32 to vector<1x5120xi32>
      %select_n3A_227 = arith.select %and3A_224, %broadcast_in_dim3A_226, %select_n3A_184 : vector<1x5120xi1>, vector<1x5120xi32>
      %gt3A_228 = arith.constant 0 : i32
      %gt3A_229 = vector.broadcast %gt3A_228 : i32 to vector<1x5120xi32>
      %gt3A_230 = arith.cmpi sgt, %select_n3A_227, %gt3A_229 : vector<1x5120xi32>
      %gt3A_231 = vector.broadcast %select_n3A_214 : i32 to vector<1x5120xi32>
      %gt3A_232 = arith.cmpi sgt, %iota3A, %gt3A_231 : vector<1x5120xi32>
      %and3A_233 = arith.andi %gt3A_230, %gt3A_232 : vector<1x5120xi1>
      %lt3A_234 = arith.constant 5000 : i32
      %lt3A_235 = vector.broadcast %lt3A_234 : i32 to vector<1x5120xi32>
      %lt3A_236 = arith.cmpi slt, %iota3A, %lt3A_235 : vector<1x5120xi32>
      %and3A_237 = arith.andi %and3A_233, %lt3A_236 : vector<1x5120xi1>
      %jit3A_238 = arith.constant 5000 : i32
      %broadcast_in_dim3A_239 = vector.broadcast %jit3A_238 : i32 to vector<1x5120xi32>
      %select_n3A_240 = arith.select %and3A_237, %iota3A, %broadcast_in_dim3A_239 : vector<1x5120xi1>, vector<1x5120xi32>
      %reduce_min3A_241 = vector.shape_cast %select_n3A_240 : vector<1x5120xi32> to vector<1x1x5120xi32>
      %reduce_min3A_242 = arith.constant dense<2147483647> : vector<1xi32>
      %reduce_min3A_243 = vector.multi_reduction <minsi>, %reduce_min3A_241, %reduce_min3A_242 [1, 2] : vector<1x1x5120xi32> to vector<1xi32>
      %reduce_min3A_244 = vector.shape_cast %reduce_min3A_243 : vector<1xi32> to vector<1x1x1xi32>
      %reduce_min3A_245 = vector.extract %reduce_min3A_244[0, 0, 0] : i32 from vector<1x1x1xi32>
      %select_n3A_246 = arith.select %and3A_213, %select_n3A_227, %select_n3A_184 : vector<1x5120xi32>
      %select_n3A_247 = arith.select %and3A_213, %reduce_min3A_245, %select_n3A_185 : i32
      %lt3A_248 = arith.constant 5000 : i32
      %lt3A_249 = arith.cmpi slt, %select_n3A_247, %lt3A_248 : i32
      %jit3A_250 = arith.constant 512 : i32
      %div3A_251 = arith.divsi %select_n3A_247, %jit3A_250 : i32
      %sign3A_252 = arith.constant 0 : i32
      %sign3A_253 = arith.cmpi sgt, %select_n3A_247, %sign3A_252 : i32
      %sign3A_254 = arith.extui %sign3A_253 : i1 to i32
      %sign3A_255 = arith.constant 0 : i32
      %sign3A_256 = arith.cmpi slt, %select_n3A_247, %sign3A_255 : i32
      %sign3A_257 = arith.extui %sign3A_256 : i1 to i32
      %sign3A_258 = arith.subi %sign3A_254, %sign3A_257 : i32
      %sign3A_259 = arith.constant 0 : i32
      %sign3A_260 = arith.cmpi sgt, %jit3A_250, %sign3A_259 : i32
      %sign3A_261 = arith.extui %sign3A_260 : i1 to i32
      %sign3A_262 = arith.constant 0 : i32
      %sign3A_263 = arith.cmpi slt, %jit3A_250, %sign3A_262 : i32
      %sign3A_264 = arith.extui %sign3A_263 : i1 to i32
      %sign3A_265 = arith.subi %sign3A_261, %sign3A_264 : i32
      %ne3A_266 = arith.cmpi ne, %sign3A_258, %sign3A_265 : i32
      %rem3A_267 = arith.remsi %select_n3A_247, %jit3A_250 : i32
      %ne3A_268 = arith.constant 0 : i32
      %ne3A_269 = arith.cmpi ne, %rem3A_267, %ne3A_268 : i32
      %and3A_270 = arith.andi %ne3A_266, %ne3A_269 : i1
      %sub3A_271 = arith.constant 1 : i32
      %sub3A_272 = arith.subi %div3A_251, %sub3A_271 : i32
      %select_n3A_273 = arith.select %and3A_270, %sub3A_272, %div3A_251 : i32
      %eq3A_274 = arith.cmpi eq, %select_n3A_273, %select_n3A : i32
      %and3A_275 = arith.andi %lt3A_249, %eq3A_274 : i1
      %select_n3A_276 = arith.select %and3A_275, %select_n3A_247, %multiple_of3A : i32
      %sub3A_277 = arith.subi %select_n3A_276, %multiple_of3A : i32
      %get3A_278 = arith.index_cast %sub3A_277 : i32 to index
      %get3A_279 = arith.constant 0 : index
      %get3A_280 = vector.load %arg7[%get3A_278, %get3A_279] : memref<512x5120xf32, #tpu.memory_space<vmem>>, vector<1x5120xf32>
      %gt3A_281 = arith.constant 0.000000e+00 : f32
      %gt3A_282 = vector.broadcast %gt3A_281 : f32 to vector<1x5120xf32>
      %gt3A_283 = arith.cmpf ogt, %get3A_280, %gt3A_282 : vector<1x5120xf32>
      %gt3A_284 = vector.broadcast %select_n3A_276 : i32 to vector<1x5120xi32>
      %gt3A_285 = arith.cmpi sgt, %iota3A, %gt3A_284 : vector<1x5120xi32>
      %and3A_286 = arith.andi %gt3A_283, %gt3A_285 : vector<1x5120xi1>
      %jit3A_287 = arith.constant 0 : i32
      %broadcast_in_dim3A_288 = vector.broadcast %jit3A_287 : i32 to vector<1x5120xi32>
      %select_n3A_289 = arith.select %and3A_286, %broadcast_in_dim3A_288, %select_n3A_246 : vector<1x5120xi1>, vector<1x5120xi32>
      %gt3A_290 = arith.constant 0 : i32
      %gt3A_291 = vector.broadcast %gt3A_290 : i32 to vector<1x5120xi32>
      %gt3A_292 = arith.cmpi sgt, %select_n3A_289, %gt3A_291 : vector<1x5120xi32>
      %gt3A_293 = vector.broadcast %select_n3A_276 : i32 to vector<1x5120xi32>
      %gt3A_294 = arith.cmpi sgt, %iota3A, %gt3A_293 : vector<1x5120xi32>
      %and3A_295 = arith.andi %gt3A_292, %gt3A_294 : vector<1x5120xi1>
      %lt3A_296 = arith.constant 5000 : i32
      %lt3A_297 = vector.broadcast %lt3A_296 : i32 to vector<1x5120xi32>
      %lt3A_298 = arith.cmpi slt, %iota3A, %lt3A_297 : vector<1x5120xi32>
      %and3A_299 = arith.andi %and3A_295, %lt3A_298 : vector<1x5120xi1>
      %jit3A_300 = arith.constant 5000 : i32
      %broadcast_in_dim3A_301 = vector.broadcast %jit3A_300 : i32 to vector<1x5120xi32>
      %select_n3A_302 = arith.select %and3A_299, %iota3A, %broadcast_in_dim3A_301 : vector<1x5120xi1>, vector<1x5120xi32>
      %reduce_min3A_303 = vector.shape_cast %select_n3A_302 : vector<1x5120xi32> to vector<1x1x5120xi32>
      %reduce_min3A_304 = arith.constant dense<2147483647> : vector<1xi32>
      %reduce_min3A_305 = vector.multi_reduction <minsi>, %reduce_min3A_303, %reduce_min3A_304 [1, 2] : vector<1x1x5120xi32> to vector<1xi32>
      %reduce_min3A_306 = vector.shape_cast %reduce_min3A_305 : vector<1xi32> to vector<1x1x1xi32>
      %reduce_min3A_307 = vector.extract %reduce_min3A_306[0, 0, 0] : i32 from vector<1x1x1xi32>
      %select_n3A_308 = arith.select %and3A_275, %select_n3A_289, %select_n3A_246 : vector<1x5120xi32>
      %select_n3A_309 = arith.select %and3A_275, %reduce_min3A_307, %select_n3A_247 : i32
      %lt3A_310 = arith.constant 5000 : i32
      %lt3A_311 = arith.cmpi slt, %select_n3A_309, %lt3A_310 : i32
      %jit3A_312 = arith.constant 512 : i32
      %div3A_313 = arith.divsi %select_n3A_309, %jit3A_312 : i32
      %sign3A_314 = arith.constant 0 : i32
      %sign3A_315 = arith.cmpi sgt, %select_n3A_309, %sign3A_314 : i32
      %sign3A_316 = arith.extui %sign3A_315 : i1 to i32
      %sign3A_317 = arith.constant 0 : i32
      %sign3A_318 = arith.cmpi slt, %select_n3A_309, %sign3A_317 : i32
      %sign3A_319 = arith.extui %sign3A_318 : i1 to i32
      %sign3A_320 = arith.subi %sign3A_316, %sign3A_319 : i32
      %sign3A_321 = arith.constant 0 : i32
      %sign3A_322 = arith.cmpi sgt, %jit3A_312, %sign3A_321 : i32
      %sign3A_323 = arith.extui %sign3A_322 : i1 to i32
      %sign3A_324 = arith.constant 0 : i32
      %sign3A_325 = arith.cmpi slt, %jit3A_312, %sign3A_324 : i32
      %sign3A_326 = arith.extui %sign3A_325 : i1 to i32
      %sign3A_327 = arith.subi %sign3A_323, %sign3A_326 : i32
      %ne3A_328 = arith.cmpi ne, %sign3A_320, %sign3A_327 : i32
      %rem3A_329 = arith.remsi %select_n3A_309, %jit3A_312 : i32
      %ne3A_330 = arith.constant 0 : i32
      %ne3A_331 = arith.cmpi ne, %rem3A_329, %ne3A_330 : i32
      %and3A_332 = arith.andi %ne3A_328, %ne3A_331 : i1
      %sub3A_333 = arith.constant 1 : i32
      %sub3A_334 = arith.subi %div3A_313, %sub3A_333 : i32
      %select_n3A_335 = arith.select %and3A_332, %sub3A_334, %div3A_313 : i32
      %eq3A_336 = arith.cmpi eq, %select_n3A_335, %select_n3A : i32
      %and3A_337 = arith.andi %lt3A_311, %eq3A_336 : i1
      %select_n3A_338 = arith.select %and3A_337, %select_n3A_309, %multiple_of3A : i32
      %sub3A_339 = arith.subi %select_n3A_338, %multiple_of3A : i32
      %get3A_340 = arith.index_cast %sub3A_339 : i32 to index
      %get3A_341 = arith.constant 0 : index
      %get3A_342 = vector.load %arg7[%get3A_340, %get3A_341] : memref<512x5120xf32, #tpu.memory_space<vmem>>, vector<1x5120xf32>
      %gt3A_343 = arith.constant 0.000000e+00 : f32
      %gt3A_344 = vector.broadcast %gt3A_343 : f32 to vector<1x5120xf32>
      %gt3A_345 = arith.cmpf ogt, %get3A_342, %gt3A_344 : vector<1x5120xf32>
      %gt3A_346 = vector.broadcast %select_n3A_338 : i32 to vector<1x5120xi32>
      %gt3A_347 = arith.cmpi sgt, %iota3A, %gt3A_346 : vector<1x5120xi32>
      %and3A_348 = arith.andi %gt3A_345, %gt3A_347 : vector<1x5120xi1>
      %jit3A_349 = arith.constant 0 : i32
      %broadcast_in_dim3A_350 = vector.broadcast %jit3A_349 : i32 to vector<1x5120xi32>
      %select_n3A_351 = arith.select %and3A_348, %broadcast_in_dim3A_350, %select_n3A_308 : vector<1x5120xi1>, vector<1x5120xi32>
      %gt3A_352 = arith.constant 0 : i32
      %gt3A_353 = vector.broadcast %gt3A_352 : i32 to vector<1x5120xi32>
      %gt3A_354 = arith.cmpi sgt, %select_n3A_351, %gt3A_353 : vector<1x5120xi32>
      %gt3A_355 = vector.broadcast %select_n3A_338 : i32 to vector<1x5120xi32>
      %gt3A_356 = arith.cmpi sgt, %iota3A, %gt3A_355 : vector<1x5120xi32>
      %and3A_357 = arith.andi %gt3A_354, %gt3A_356 : vector<1x5120xi1>
      %lt3A_358 = arith.constant 5000 : i32
      %lt3A_359 = vector.broadcast %lt3A_358 : i32 to vector<1x5120xi32>
      %lt3A_360 = arith.cmpi slt, %iota3A, %lt3A_359 : vector<1x5120xi32>
      %and3A_361 = arith.andi %and3A_357, %lt3A_360 : vector<1x5120xi1>
      %jit3A_362 = arith.constant 5000 : i32
      %broadcast_in_dim3A_363 = vector.broadcast %jit3A_362 : i32 to vector<1x5120xi32>
      %select_n3A_364 = arith.select %and3A_361, %iota3A, %broadcast_in_dim3A_363 : vector<1x5120xi1>, vector<1x5120xi32>
      %reduce_min3A_365 = vector.shape_cast %select_n3A_364 : vector<1x5120xi32> to vector<1x1x5120xi32>
      %reduce_min3A_366 = arith.constant dense<2147483647> : vector<1xi32>
      %reduce_min3A_367 = vector.multi_reduction <minsi>, %reduce_min3A_365, %reduce_min3A_366 [1, 2] : vector<1x1x5120xi32> to vector<1xi32>
      %reduce_min3A_368 = vector.shape_cast %reduce_min3A_367 : vector<1xi32> to vector<1x1x1xi32>
      %reduce_min3A_369 = vector.extract %reduce_min3A_368[0, 0, 0] : i32 from vector<1x1x1xi32>
      %select_n3A_370 = arith.select %and3A_337, %select_n3A_351, %select_n3A_308 : vector<1x5120xi32>
      %select_n3A_371 = arith.select %and3A_337, %reduce_min3A_369, %select_n3A_309 : i32
      %lt3A_372 = arith.constant 5000 : i32
      %lt3A_373 = arith.cmpi slt, %select_n3A_371, %lt3A_372 : i32
      %jit3A_374 = arith.constant 512 : i32
      %div3A_375 = arith.divsi %select_n3A_371, %jit3A_374 : i32
      %sign3A_376 = arith.constant 0 : i32
      %sign3A_377 = arith.cmpi sgt, %select_n3A_371, %sign3A_376 : i32
      %sign3A_378 = arith.extui %sign3A_377 : i1 to i32
      %sign3A_379 = arith.constant 0 : i32
      %sign3A_380 = arith.cmpi slt, %select_n3A_371, %sign3A_379 : i32
      %sign3A_381 = arith.extui %sign3A_380 : i1 to i32
      %sign3A_382 = arith.subi %sign3A_378, %sign3A_381 : i32
      %sign3A_383 = arith.constant 0 : i32
      %sign3A_384 = arith.cmpi sgt, %jit3A_374, %sign3A_383 : i32
      %sign3A_385 = arith.extui %sign3A_384 : i1 to i32
      %sign3A_386 = arith.constant 0 : i32
      %sign3A_387 = arith.cmpi slt, %jit3A_374, %sign3A_386 : i32
      %sign3A_388 = arith.extui %sign3A_387 : i1 to i32
      %sign3A_389 = arith.subi %sign3A_385, %sign3A_388 : i32
      %ne3A_390 = arith.cmpi ne, %sign3A_382, %sign3A_389 : i32
      %rem3A_391 = arith.remsi %select_n3A_371, %jit3A_374 : i32
      %ne3A_392 = arith.constant 0 : i32
      %ne3A_393 = arith.cmpi ne, %rem3A_391, %ne3A_392 : i32
      %and3A_394 = arith.andi %ne3A_390, %ne3A_393 : i1
      %sub3A_395 = arith.constant 1 : i32
      %sub3A_396 = arith.subi %div3A_375, %sub3A_395 : i32
      %select_n3A_397 = arith.select %and3A_394, %sub3A_396, %div3A_375 : i32
      %eq3A_398 = arith.cmpi eq, %select_n3A_397, %select_n3A : i32
      %and3A_399 = arith.andi %lt3A_373, %eq3A_398 : i1
      %select_n3A_400 = arith.select %and3A_399, %select_n3A_371, %multiple_of3A : i32
      %sub3A_401 = arith.subi %select_n3A_400, %multiple_of3A : i32
      %get3A_402 = arith.index_cast %sub3A_401 : i32 to index
      %get3A_403 = arith.constant 0 : index
      %get3A_404 = vector.load %arg7[%get3A_402, %get3A_403] : memref<512x5120xf32, #tpu.memory_space<vmem>>, vector<1x5120xf32>
      %gt3A_405 = arith.constant 0.000000e+00 : f32
      %gt3A_406 = vector.broadcast %gt3A_405 : f32 to vector<1x5120xf32>
      %gt3A_407 = arith.cmpf ogt, %get3A_404, %gt3A_406 : vector<1x5120xf32>
      %gt3A_408 = vector.broadcast %select_n3A_400 : i32 to vector<1x5120xi32>
      %gt3A_409 = arith.cmpi sgt, %iota3A, %gt3A_408 : vector<1x5120xi32>
      %and3A_410 = arith.andi %gt3A_407, %gt3A_409 : vector<1x5120xi1>
      %jit3A_411 = arith.constant 0 : i32
      %broadcast_in_dim3A_412 = vector.broadcast %jit3A_411 : i32 to vector<1x5120xi32>
      %select_n3A_413 = arith.select %and3A_410, %broadcast_in_dim3A_412, %select_n3A_370 : vector<1x5120xi1>, vector<1x5120xi32>
      %gt3A_414 = arith.constant 0 : i32
      %gt3A_415 = vector.broadcast %gt3A_414 : i32 to vector<1x5120xi32>
      %gt3A_416 = arith.cmpi sgt, %select_n3A_413, %gt3A_415 : vector<1x5120xi32>
      %gt3A_417 = vector.broadcast %select_n3A_400 : i32 to vector<1x5120xi32>
      %gt3A_418 = arith.cmpi sgt, %iota3A, %gt3A_417 : vector<1x5120xi32>
      %and3A_419 = arith.andi %gt3A_416, %gt3A_418 : vector<1x5120xi1>
      %lt3A_420 = arith.constant 5000 : i32
      %lt3A_421 = vector.broadcast %lt3A_420 : i32 to vector<1x5120xi32>
      %lt3A_422 = arith.cmpi slt, %iota3A, %lt3A_421 : vector<1x5120xi32>
      %and3A_423 = arith.andi %and3A_419, %lt3A_422 : vector<1x5120xi1>
      %jit3A_424 = arith.constant 5000 : i32
      %broadcast_in_dim3A_425 = vector.broadcast %jit3A_424 : i32 to vector<1x5120xi32>
      %select_n3A_426 = arith.select %and3A_423, %iota3A, %broadcast_in_dim3A_425 : vector<1x5120xi1>, vector<1x5120xi32>
      %reduce_min3A_427 = vector.shape_cast %select_n3A_426 : vector<1x5120xi32> to vector<1x1x5120xi32>
      %reduce_min3A_428 = arith.constant dense<2147483647> : vector<1xi32>
      %reduce_min3A_429 = vector.multi_reduction <minsi>, %reduce_min3A_427, %reduce_min3A_428 [1, 2] : vector<1x1x5120xi32> to vector<1xi32>
      %reduce_min3A_430 = vector.shape_cast %reduce_min3A_429 : vector<1xi32> to vector<1x1x1xi32>
      %reduce_min3A_431 = vector.extract %reduce_min3A_430[0, 0, 0] : i32 from vector<1x1x1xi32>
      %select_n3A_432 = arith.select %and3A_399, %select_n3A_413, %select_n3A_370 : vector<1x5120xi32>
      %select_n3A_433 = arith.select %and3A_399, %reduce_min3A_431, %select_n3A_371 : i32
      %lt3A_434 = arith.constant 5000 : i32
      %lt3A_435 = arith.cmpi slt, %select_n3A_433, %lt3A_434 : i32
      %jit3A_436 = arith.constant 512 : i32
      %div3A_437 = arith.divsi %select_n3A_433, %jit3A_436 : i32
      %sign3A_438 = arith.constant 0 : i32
      %sign3A_439 = arith.cmpi sgt, %select_n3A_433, %sign3A_438 : i32
      %sign3A_440 = arith.extui %sign3A_439 : i1 to i32
      %sign3A_441 = arith.constant 0 : i32
      %sign3A_442 = arith.cmpi slt, %select_n3A_433, %sign3A_441 : i32
      %sign3A_443 = arith.extui %sign3A_442 : i1 to i32
      %sign3A_444 = arith.subi %sign3A_440, %sign3A_443 : i32
      %sign3A_445 = arith.constant 0 : i32
      %sign3A_446 = arith.cmpi sgt, %jit3A_436, %sign3A_445 : i32
      %sign3A_447 = arith.extui %sign3A_446 : i1 to i32
      %sign3A_448 = arith.constant 0 : i32
      %sign3A_449 = arith.cmpi slt, %jit3A_436, %sign3A_448 : i32
      %sign3A_450 = arith.extui %sign3A_449 : i1 to i32
      %sign3A_451 = arith.subi %sign3A_447, %sign3A_450 : i32
      %ne3A_452 = arith.cmpi ne, %sign3A_444, %sign3A_451 : i32
      %rem3A_453 = arith.remsi %select_n3A_433, %jit3A_436 : i32
      %ne3A_454 = arith.constant 0 : i32
      %ne3A_455 = arith.cmpi ne, %rem3A_453, %ne3A_454 : i32
      %and3A_456 = arith.andi %ne3A_452, %ne3A_455 : i1
      %sub3A_457 = arith.constant 1 : i32
      %sub3A_458 = arith.subi %div3A_437, %sub3A_457 : i32
      %select_n3A_459 = arith.select %and3A_456, %sub3A_458, %div3A_437 : i32
      %eq3A_460 = arith.cmpi eq, %select_n3A_459, %select_n3A : i32
      %and3A_461 = arith.andi %lt3A_435, %eq3A_460 : i1
      %select_n3A_462 = arith.select %and3A_461, %select_n3A_433, %multiple_of3A : i32
      %sub3A_463 = arith.subi %select_n3A_462, %multiple_of3A : i32
      %get3A_464 = arith.index_cast %sub3A_463 : i32 to index
      %get3A_465 = arith.constant 0 : index
      %get3A_466 = vector.load %arg7[%get3A_464, %get3A_465] : memref<512x5120xf32, #tpu.memory_space<vmem>>, vector<1x5120xf32>
      %gt3A_467 = arith.constant 0.000000e+00 : f32
      %gt3A_468 = vector.broadcast %gt3A_467 : f32 to vector<1x5120xf32>
      %gt3A_469 = arith.cmpf ogt, %get3A_466, %gt3A_468 : vector<1x5120xf32>
      %gt3A_470 = vector.broadcast %select_n3A_462 : i32 to vector<1x5120xi32>
      %gt3A_471 = arith.cmpi sgt, %iota3A, %gt3A_470 : vector<1x5120xi32>
      %and3A_472 = arith.andi %gt3A_469, %gt3A_471 : vector<1x5120xi1>
      %jit3A_473 = arith.constant 0 : i32
      %broadcast_in_dim3A_474 = vector.broadcast %jit3A_473 : i32 to vector<1x5120xi32>
      %select_n3A_475 = arith.select %and3A_472, %broadcast_in_dim3A_474, %select_n3A_432 : vector<1x5120xi1>, vector<1x5120xi32>
      %gt3A_476 = arith.constant 0 : i32
      %gt3A_477 = vector.broadcast %gt3A_476 : i32 to vector<1x5120xi32>
      %gt3A_478 = arith.cmpi sgt, %select_n3A_475, %gt3A_477 : vector<1x5120xi32>
      %gt3A_479 = vector.broadcast %select_n3A_462 : i32 to vector<1x5120xi32>
      %gt3A_480 = arith.cmpi sgt, %iota3A, %gt3A_479 : vector<1x5120xi32>
      %and3A_481 = arith.andi %gt3A_478, %gt3A_480 : vector<1x5120xi1>
      %lt3A_482 = arith.constant 5000 : i32
      %lt3A_483 = vector.broadcast %lt3A_482 : i32 to vector<1x5120xi32>
      %lt3A_484 = arith.cmpi slt, %iota3A, %lt3A_483 : vector<1x5120xi32>
      %and3A_485 = arith.andi %and3A_481, %lt3A_484 : vector<1x5120xi1>
      %jit3A_486 = arith.constant 5000 : i32
      %broadcast_in_dim3A_487 = vector.broadcast %jit3A_486 : i32 to vector<1x5120xi32>
      %select_n3A_488 = arith.select %and3A_485, %iota3A, %broadcast_in_dim3A_487 : vector<1x5120xi1>, vector<1x5120xi32>
      %reduce_min3A_489 = vector.shape_cast %select_n3A_488 : vector<1x5120xi32> to vector<1x1x5120xi32>
      %reduce_min3A_490 = arith.constant dense<2147483647> : vector<1xi32>
      %reduce_min3A_491 = vector.multi_reduction <minsi>, %reduce_min3A_489, %reduce_min3A_490 [1, 2] : vector<1x1x5120xi32> to vector<1xi32>
      %reduce_min3A_492 = vector.shape_cast %reduce_min3A_491 : vector<1xi32> to vector<1x1x1xi32>
      %reduce_min3A_493 = vector.extract %reduce_min3A_492[0, 0, 0] : i32 from vector<1x1x1xi32>
      %select_n3A_494 = arith.select %and3A_461, %select_n3A_475, %select_n3A_432 : vector<1x5120xi32>
      %select_n3A_495 = arith.select %and3A_461, %reduce_min3A_493, %select_n3A_433 : i32
      %lt3A_496 = arith.constant 5000 : i32
      %lt3A_497 = arith.cmpi slt, %select_n3A_495, %lt3A_496 : i32
      %jit3A_498 = arith.constant 512 : i32
      %div3A_499 = arith.divsi %select_n3A_495, %jit3A_498 : i32
      %sign3A_500 = arith.constant 0 : i32
      %sign3A_501 = arith.cmpi sgt, %select_n3A_495, %sign3A_500 : i32
      %sign3A_502 = arith.extui %sign3A_501 : i1 to i32
      %sign3A_503 = arith.constant 0 : i32
      %sign3A_504 = arith.cmpi slt, %select_n3A_495, %sign3A_503 : i32
      %sign3A_505 = arith.extui %sign3A_504 : i1 to i32
      %sign3A_506 = arith.subi %sign3A_502, %sign3A_505 : i32
      %sign3A_507 = arith.constant 0 : i32
      %sign3A_508 = arith.cmpi sgt, %jit3A_498, %sign3A_507 : i32
      %sign3A_509 = arith.extui %sign3A_508 : i1 to i32
      %sign3A_510 = arith.constant 0 : i32
      %sign3A_511 = arith.cmpi slt, %jit3A_498, %sign3A_510 : i32
      %sign3A_512 = arith.extui %sign3A_511 : i1 to i32
      %sign3A_513 = arith.subi %sign3A_509, %sign3A_512 : i32
      %ne3A_514 = arith.cmpi ne, %sign3A_506, %sign3A_513 : i32
      %rem3A_515 = arith.remsi %select_n3A_495, %jit3A_498 : i32
      %ne3A_516 = arith.constant 0 : i32
      %ne3A_517 = arith.cmpi ne, %rem3A_515, %ne3A_516 : i32
      %and3A_518 = arith.andi %ne3A_514, %ne3A_517 : i1
      %sub3A_519 = arith.constant 1 : i32
      %sub3A_520 = arith.subi %div3A_499, %sub3A_519 : i32
      %select_n3A_521 = arith.select %and3A_518, %sub3A_520, %div3A_499 : i32
      %eq3A_522 = arith.cmpi eq, %select_n3A_521, %select_n3A : i32
      %and3A_523 = arith.andi %lt3A_497, %eq3A_522 : i1
      %select_n3A_524 = arith.select %and3A_523, %select_n3A_495, %multiple_of3A : i32
      %sub3A_525 = arith.subi %select_n3A_524, %multiple_of3A : i32
      %get3A_526 = arith.index_cast %sub3A_525 : i32 to index
      %get3A_527 = arith.constant 0 : index
      %get3A_528 = vector.load %arg7[%get3A_526, %get3A_527] : memref<512x5120xf32, #tpu.memory_space<vmem>>, vector<1x5120xf32>
      %gt3A_529 = arith.constant 0.000000e+00 : f32
      %gt3A_530 = vector.broadcast %gt3A_529 : f32 to vector<1x5120xf32>
      %gt3A_531 = arith.cmpf ogt, %get3A_528, %gt3A_530 : vector<1x5120xf32>
      %gt3A_532 = vector.broadcast %select_n3A_524 : i32 to vector<1x5120xi32>
      %gt3A_533 = arith.cmpi sgt, %iota3A, %gt3A_532 : vector<1x5120xi32>
      %and3A_534 = arith.andi %gt3A_531, %gt3A_533 : vector<1x5120xi1>
      %jit3A_535 = arith.constant 0 : i32
      %broadcast_in_dim3A_536 = vector.broadcast %jit3A_535 : i32 to vector<1x5120xi32>
      %select_n3A_537 = arith.select %and3A_534, %broadcast_in_dim3A_536, %select_n3A_494 : vector<1x5120xi1>, vector<1x5120xi32>
      %gt3A_538 = arith.constant 0 : i32
      %gt3A_539 = vector.broadcast %gt3A_538 : i32 to vector<1x5120xi32>
      %gt3A_540 = arith.cmpi sgt, %select_n3A_537, %gt3A_539 : vector<1x5120xi32>
      %gt3A_541 = vector.broadcast %select_n3A_524 : i32 to vector<1x5120xi32>
      %gt3A_542 = arith.cmpi sgt, %iota3A, %gt3A_541 : vector<1x5120xi32>
      %and3A_543 = arith.andi %gt3A_540, %gt3A_542 : vector<1x5120xi1>
      %lt3A_544 = arith.constant 5000 : i32
      %lt3A_545 = vector.broadcast %lt3A_544 : i32 to vector<1x5120xi32>
      %lt3A_546 = arith.cmpi slt, %iota3A, %lt3A_545 : vector<1x5120xi32>
      %and3A_547 = arith.andi %and3A_543, %lt3A_546 : vector<1x5120xi1>
      %jit3A_548 = arith.constant 5000 : i32
      %broadcast_in_dim3A_549 = vector.broadcast %jit3A_548 : i32 to vector<1x5120xi32>
      %select_n3A_550 = arith.select %and3A_547, %iota3A, %broadcast_in_dim3A_549 : vector<1x5120xi1>, vector<1x5120xi32>
      %reduce_min3A_551 = vector.shape_cast %select_n3A_550 : vector<1x5120xi32> to vector<1x1x5120xi32>
      %reduce_min3A_552 = arith.constant dense<2147483647> : vector<1xi32>
      %reduce_min3A_553 = vector.multi_reduction <minsi>, %reduce_min3A_551, %reduce_min3A_552 [1, 2] : vector<1x1x5120xi32> to vector<1xi32>
      %reduce_min3A_554 = vector.shape_cast %reduce_min3A_553 : vector<1xi32> to vector<1x1x1xi32>
      %reduce_min3A_555 = vector.extract %reduce_min3A_554[0, 0, 0] : i32 from vector<1x1x1xi32>
      %select_n3A_556 = arith.select %and3A_523, %select_n3A_537, %select_n3A_494 : vector<1x5120xi32>
      %select_n3A_557 = arith.select %and3A_523, %reduce_min3A_555, %select_n3A_495 : i32
      %swap3A_558 = arith.constant 0 : index
      %swap3A_559 = arith.constant 0 : index
      %swap3A_560 = vector.load %arg8[%swap3A_558, %swap3A_559] : memref<1x5120xi32, #tpu.memory_space<vmem>>, vector<1x5120xi32>
      tpu.vector_store %arg8[%swap3A_558, %swap3A_559], %select_n3A_556 {strides = array<i32>} : memref<1x5120xi32, #tpu.memory_space<vmem>>, vector<1x5120xi32>,
      scf.yield %select_n3A_557, %select_n3A : i32, i32
    }
    %get3A_33 = arith.constant 0 : index
    %get3A_34 = arith.constant 0 : index
    %get3A_35 = vector.load %arg5[%get3A_33, %get3A_34] : memref<5120x196xf32, #tpu.memory_space<vmem>>, vector<5120x196xf32>
    %convert_element_type3A_36 = arith.truncf %get3A_35 : vector<5120x196xf32> to vector<5120x196xbf16>
    %swap3A_37 = arith.constant 0 : index
    %swap3A_38 = arith.constant 0 : index
    %swap3A_39 = vector.load %arg6[%swap3A_37, %swap3A_38] : memref<5120x196xbf16, #tpu.memory_space<vmem>>, vector<5120x196xbf16>
    tpu.vector_store %arg6[%swap3A_37, %swap3A_38], %convert_element_type3A_36 {strides = array<i32>} : memref<5120x196xbf16, #tpu.memory_space<vmem>>, vector<5120x196xbf16>,
    %broadcast_in_dim3A_40 = arith.constant 1 : i32
    %broadcast_in_dim3A_41 = vector.broadcast %broadcast_in_dim3A_40 : i32 to vector<1x5120xi32>
    %swap3A_42 = arith.constant 0 : index
    %swap3A_43 = arith.constant 0 : index
    %swap3A_44 = vector.load %arg9[%swap3A_42, %swap3A_43] : memref<1x5120xi32, #tpu.memory_space<vmem>>, vector<1x5120xi32>
    tpu.vector_store %arg9[%swap3A_42, %swap3A_43], %broadcast_in_dim3A_41 {strides = array<i32>} : memref<1x5120xi32, #tpu.memory_space<vmem>>, vector<1x5120xi32>,
    %while3A_45 = arith.constant 0 : i32
    %while3A_46 = arith.constant -1 : i32
    %while3A_47:2 = scf.while (%while3A_71 = %while3A_45, %while3A_72 = %while3A_46) : (i32, i32) -> (i32, i32) {
      %lt3A = arith.constant 5000 : i32
      %lt3A_73 = arith.cmpi slt, %while3A_71, %lt3A : i32
      scf.condition(%lt3A_73) %while3A_71, %while3A_72 : i32, i32
    } do {
    ^bb0(%while3A_71: i32, %while3A_72: i32):
      %jit3A = arith.constant 512 : i32
      %div3A = arith.divsi %while3A_71, %jit3A : i32
      %sign3A = arith.constant 0 : i32
      %sign3A_73 = arith.cmpi sgt, %while3A_71, %sign3A : i32
      %sign3A_74 = arith.extui %sign3A_73 : i1 to i32
      %sign3A_75 = arith.constant 0 : i32
      %sign3A_76 = arith.cmpi slt, %while3A_71, %sign3A_75 : i32
      %sign3A_77 = arith.extui %sign3A_76 : i1 to i32
      %sign3A_78 = arith.subi %sign3A_74, %sign3A_77 : i32
      %sign3A_79 = arith.constant 0 : i32
      %sign3A_80 = arith.cmpi sgt, %jit3A, %sign3A_79 : i32
      %sign3A_81 = arith.extui %sign3A_80 : i1 to i32
      %sign3A_82 = arith.constant 0 : i32
      %sign3A_83 = arith.cmpi slt, %jit3A, %sign3A_82 : i32
      %sign3A_84 = arith.extui %sign3A_83 : i1 to i32
      %sign3A_85 = arith.subi %sign3A_81, %sign3A_84 : i32
      %ne3A = arith.cmpi ne, %sign3A_78, %sign3A_85 : i32
      %rem3A = arith.remsi %while3A_71, %jit3A : i32
      %ne3A_86 = arith.constant 0 : i32
      %ne3A_87 = arith.cmpi ne, %rem3A, %ne3A_86 : i32
      %and3A = arith.andi %ne3A, %ne3A_87 : i1
      %sub3A = arith.constant 1 : i32
      %sub3A_88 = arith.subi %div3A, %sub3A : i32
      %select_n3A = arith.select %and3A, %sub3A_88, %div3A : i32
      %mul3A_89 = arith.constant 512 : i32
      %mul3A_90 = arith.muli %select_n3A, %mul3A_89 : i32
      %multiple_of3A = tpu.assume_multiple %mul3A_90, 512 : i32
      %ne3A_91 = arith.cmpi ne, %select_n3A, %while3A_72 : i32
      %convert_element_type3A_92 = arith.extui %ne3A_91 : i1 to i32
      %cond3A = arith.constant 0 : i32
      %cond3A_93 = arith.cmpi ne, %convert_element_type3A_92, %cond3A : i32
      scf.if %cond3A_93 {
        %get3A_561 = arith.index_cast %multiple_of3A : i32 to index
        %get3A_562 = arith.constant 0 : index
        %get3A_563 = vector.load %arg6[%get3A_561, %get3A_562] : memref<5120x196xbf16, #tpu.memory_space<vmem>>, vector<512x196xbf16>
        %get3A_564 = arith.constant 0 : index
        %get3A_565 = arith.constant 0 : index
        %get3A_566 = vector.load %arg6[%get3A_564, %get3A_565] : memref<5120x196xbf16, #tpu.memory_space<vmem>>, vector<5120x196xbf16>
        %dot_general3A = arith.constant dense<0.000000e+00> : vector<512x5120xf32>
        %dot_general3A_567 = tpu.matmul %get3A_563, %get3A_566, %dot_general3A {dimension_numbers = #tpu.dot_dimension_numbers<[1], [1], [0], [0], [0, 0, 1, 0], [], []>, transpose_lhs_hint = false} : vector<512x196xbf16>, vector<5120x196xbf16>, vector<512x5120xf32> -> vector<512x5120xf32>
        %get3A_568 = arith.index_cast %multiple_of3A : i32 to index
        %get3A_569 = arith.constant 0 : index
        %get3A_570 = vector.load %arg3[%get3A_568, %get3A_569] : memref<5120x1xf32, #tpu.memory_space<vmem>>, vector<512x1xf32>
        %add3A = arith.constant 9.99999974E-5 : f32
        %add3A_571 = vector.broadcast %add3A : f32 to vector<512x1xf32>
        %add3A_572 = arith.addf %get3A_570, %add3A_571 : vector<512x1xf32>
        %div3A_573 = vector.broadcast %add3A_572 : vector<512x1xf32> to vector<512x5120xf32>
        %div3A_574 = arith.divf %dot_general3A_567, %div3A_573 : vector<512x5120xf32>
        %ge3A = arith.constant 5.000000e-01 : f32
        %ge3A_575 = vector.broadcast %ge3A : f32 to vector<512x5120xf32>
        %ge3A_576 = arith.cmpf oge, %div3A_574, %ge3A_575 : vector<512x5120xf32>
        %jit3A_577 = arith.constant 1.000000e+00 : f32
        %jit3A_578 = arith.constant 0.000000e+00 : f32
        %broadcast_in_dim3A_579 = vector.broadcast %jit3A_577 : f32 to vector<512x5120xf32>
        %broadcast_in_dim3A_580 = vector.broadcast %jit3A_578 : f32 to vector<512x5120xf32>
        %select_n3A_581 = arith.select %ge3A_576, %broadcast_in_dim3A_579, %broadcast_in_dim3A_580 : vector<512x5120xi1>, vector<512x5120xf32>
        %swap3A_582 = arith.constant 0 : index
        %swap3A_583 = arith.constant 0 : index
        %swap3A_584 = vector.load %arg7[%swap3A_582, %swap3A_583] : memref<512x5120xf32, #tpu.memory_space<vmem>>, vector<512x5120xf32>
        tpu.vector_store %arg7[%swap3A_582, %swap3A_583], %select_n3A_581 {strides = array<i32>} : memref<512x5120xf32, #tpu.memory_space<vmem>>, vector<512x5120xf32>,
      } else {
      }
      %get3A_94 = arith.constant 0 : index
      %get3A_95 = arith.constant 0 : index
      %get3A_96 = vector.load %arg9[%get3A_94, %get3A_95] : memref<1x5120xi32, #tpu.memory_space<vmem>>, vector<1x5120xi32>
      %sub3A_97 = arith.subi %while3A_71, %multiple_of3A : i32
      %get3A_98 = arith.index_cast %sub3A_97 : i32 to index
      %get3A_99 = arith.constant 0 : index
      %get3A_100 = vector.load %arg7[%get3A_98, %get3A_99] : memref<512x5120xf32, #tpu.memory_space<vmem>>, vector<1x5120xf32>
      %gt3A = arith.constant 0.000000e+00 : f32
      %gt3A_101 = vector.broadcast %gt3A : f32 to vector<1x5120xf32>
      %gt3A_102 = arith.cmpf ogt, %get3A_100, %gt3A_101 : vector<1x5120xf32>
      %gt3A_103 = vector.broadcast %while3A_71 : i32 to vector<1x5120xi32>
      %gt3A_104 = arith.cmpi sgt, %iota3A, %gt3A_103 : vector<1x5120xi32>
      %and3A_105 = arith.andi %gt3A_102, %gt3A_104 : vector<1x5120xi1>
      %jit3A_106 = arith.constant 0 : i32
      %broadcast_in_dim3A_107 = vector.broadcast %jit3A_106 : i32 to vector<1x5120xi32>
      %select_n3A_108 = arith.select %and3A_105, %broadcast_in_dim3A_107, %get3A_96 : vector<1x5120xi1>, vector<1x5120xi32>
      %gt3A_109 = arith.constant 0 : i32
      %gt3A_110 = vector.broadcast %gt3A_109 : i32 to vector<1x5120xi32>
      %gt3A_111 = arith.cmpi sgt, %select_n3A_108, %gt3A_110 : vector<1x5120xi32>
      %gt3A_112 = vector.broadcast %while3A_71 : i32 to vector<1x5120xi32>
      %gt3A_113 = arith.cmpi sgt, %iota3A, %gt3A_112 : vector<1x5120xi32>
      %and3A_114 = arith.andi %gt3A_111, %gt3A_113 : vector<1x5120xi1>
      %lt3A = arith.constant 5000 : i32
      %lt3A_115 = vector.broadcast %lt3A : i32 to vector<1x5120xi32>
      %lt3A_116 = arith.cmpi slt, %iota3A, %lt3A_115 : vector<1x5120xi32>
      %and3A_117 = arith.andi %and3A_114, %lt3A_116 : vector<1x5120xi1>
      %jit3A_118 = arith.constant 5000 : i32
      %broadcast_in_dim3A_119 = vector.broadcast %jit3A_118 : i32 to vector<1x5120xi32>
      %select_n3A_120 = arith.select %and3A_117, %iota3A, %broadcast_in_dim3A_119 : vector<1x5120xi1>, vector<1x5120xi32>
      %reduce_min3A = vector.shape_cast %select_n3A_120 : vector<1x5120xi32> to vector<1x1x5120xi32>
      %reduce_min3A_121 = arith.constant dense<2147483647> : vector<1xi32>
      %reduce_min3A_122 = vector.multi_reduction <minsi>, %reduce_min3A, %reduce_min3A_121 [1, 2] : vector<1x1x5120xi32> to vector<1xi32>
      %reduce_min3A_123 = vector.shape_cast %reduce_min3A_122 : vector<1xi32> to vector<1x1x1xi32>
      %reduce_min3A_124 = vector.extract %reduce_min3A_123[0, 0, 0] : i32 from vector<1x1x1xi32>
      %lt3A_125 = arith.constant 5000 : i32
      %lt3A_126 = arith.cmpi slt, %reduce_min3A_124, %lt3A_125 : i32
      %jit3A_127 = arith.constant 512 : i32
      %div3A_128 = arith.divsi %reduce_min3A_124, %jit3A_127 : i32
      %sign3A_129 = arith.constant 0 : i32
      %sign3A_130 = arith.cmpi sgt, %reduce_min3A_124, %sign3A_129 : i32
      %sign3A_131 = arith.extui %sign3A_130 : i1 to i32
      %sign3A_132 = arith.constant 0 : i32
      %sign3A_133 = arith.cmpi slt, %reduce_min3A_124, %sign3A_132 : i32
      %sign3A_134 = arith.extui %sign3A_133 : i1 to i32
      %sign3A_135 = arith.subi %sign3A_131, %sign3A_134 : i32
      %sign3A_136 = arith.constant 0 : i32
      %sign3A_137 = arith.cmpi sgt, %jit3A_127, %sign3A_136 : i32
      %sign3A_138 = arith.extui %sign3A_137 : i1 to i32
      %sign3A_139 = arith.constant 0 : i32
      %sign3A_140 = arith.cmpi slt, %jit3A_127, %sign3A_139 : i32
      %sign3A_141 = arith.extui %sign3A_140 : i1 to i32
      %sign3A_142 = arith.subi %sign3A_138, %sign3A_141 : i32
      %ne3A_143 = arith.cmpi ne, %sign3A_135, %sign3A_142 : i32
      %rem3A_144 = arith.remsi %reduce_min3A_124, %jit3A_127 : i32
      %ne3A_145 = arith.constant 0 : i32
      %ne3A_146 = arith.cmpi ne, %rem3A_144, %ne3A_145 : i32
      %and3A_147 = arith.andi %ne3A_143, %ne3A_146 : i1
      %sub3A_148 = arith.constant 1 : i32
      %sub3A_149 = arith.subi %div3A_128, %sub3A_148 : i32
      %select_n3A_150 = arith.select %and3A_147, %sub3A_149, %div3A_128 : i32
      %eq3A = arith.cmpi eq, %select_n3A_150, %select_n3A : i32
      %and3A_151 = arith.andi %lt3A_126, %eq3A : i1
      %select_n3A_152 = arith.select %and3A_151, %reduce_min3A_124, %multiple_of3A : i32
      %sub3A_153 = arith.subi %select_n3A_152, %multiple_of3A : i32
      %get3A_154 = arith.index_cast %sub3A_153 : i32 to index
      %get3A_155 = arith.constant 0 : index
      %get3A_156 = vector.load %arg7[%get3A_154, %get3A_155] : memref<512x5120xf32, #tpu.memory_space<vmem>>, vector<1x5120xf32>
      %gt3A_157 = arith.constant 0.000000e+00 : f32
      %gt3A_158 = vector.broadcast %gt3A_157 : f32 to vector<1x5120xf32>
      %gt3A_159 = arith.cmpf ogt, %get3A_156, %gt3A_158 : vector<1x5120xf32>
      %gt3A_160 = vector.broadcast %select_n3A_152 : i32 to vector<1x5120xi32>
      %gt3A_161 = arith.cmpi sgt, %iota3A, %gt3A_160 : vector<1x5120xi32>
      %and3A_162 = arith.andi %gt3A_159, %gt3A_161 : vector<1x5120xi1>
      %jit3A_163 = arith.constant 0 : i32
      %broadcast_in_dim3A_164 = vector.broadcast %jit3A_163 : i32 to vector<1x5120xi32>
      %select_n3A_165 = arith.select %and3A_162, %broadcast_in_dim3A_164, %select_n3A_108 : vector<1x5120xi1>, vector<1x5120xi32>
      %gt3A_166 = arith.constant 0 : i32
      %gt3A_167 = vector.broadcast %gt3A_166 : i32 to vector<1x5120xi32>
      %gt3A_168 = arith.cmpi sgt, %select_n3A_165, %gt3A_167 : vector<1x5120xi32>
      %gt3A_169 = vector.broadcast %select_n3A_152 : i32 to vector<1x5120xi32>
      %gt3A_170 = arith.cmpi sgt, %iota3A, %gt3A_169 : vector<1x5120xi32>
      %and3A_171 = arith.andi %gt3A_168, %gt3A_170 : vector<1x5120xi1>
      %lt3A_172 = arith.constant 5000 : i32
      %lt3A_173 = vector.broadcast %lt3A_172 : i32 to vector<1x5120xi32>
      %lt3A_174 = arith.cmpi slt, %iota3A, %lt3A_173 : vector<1x5120xi32>
      %and3A_175 = arith.andi %and3A_171, %lt3A_174 : vector<1x5120xi1>
      %jit3A_176 = arith.constant 5000 : i32
      %broadcast_in_dim3A_177 = vector.broadcast %jit3A_176 : i32 to vector<1x5120xi32>
      %select_n3A_178 = arith.select %and3A_175, %iota3A, %broadcast_in_dim3A_177 : vector<1x5120xi1>, vector<1x5120xi32>
      %reduce_min3A_179 = vector.shape_cast %select_n3A_178 : vector<1x5120xi32> to vector<1x1x5120xi32>
      %reduce_min3A_180 = arith.constant dense<2147483647> : vector<1xi32>
      %reduce_min3A_181 = vector.multi_reduction <minsi>, %reduce_min3A_179, %reduce_min3A_180 [1, 2] : vector<1x1x5120xi32> to vector<1xi32>
      %reduce_min3A_182 = vector.shape_cast %reduce_min3A_181 : vector<1xi32> to vector<1x1x1xi32>
      %reduce_min3A_183 = vector.extract %reduce_min3A_182[0, 0, 0] : i32 from vector<1x1x1xi32>
      %select_n3A_184 = arith.select %and3A_151, %select_n3A_165, %select_n3A_108 : vector<1x5120xi32>
      %select_n3A_185 = arith.select %and3A_151, %reduce_min3A_183, %reduce_min3A_124 : i32
      %lt3A_186 = arith.constant 5000 : i32
      %lt3A_187 = arith.cmpi slt, %select_n3A_185, %lt3A_186 : i32
      %jit3A_188 = arith.constant 512 : i32
      %div3A_189 = arith.divsi %select_n3A_185, %jit3A_188 : i32
      %sign3A_190 = arith.constant 0 : i32
      %sign3A_191 = arith.cmpi sgt, %select_n3A_185, %sign3A_190 : i32
      %sign3A_192 = arith.extui %sign3A_191 : i1 to i32
      %sign3A_193 = arith.constant 0 : i32
      %sign3A_194 = arith.cmpi slt, %select_n3A_185, %sign3A_193 : i32
      %sign3A_195 = arith.extui %sign3A_194 : i1 to i32
      %sign3A_196 = arith.subi %sign3A_192, %sign3A_195 : i32
      %sign3A_197 = arith.constant 0 : i32
      %sign3A_198 = arith.cmpi sgt, %jit3A_188, %sign3A_197 : i32
      %sign3A_199 = arith.extui %sign3A_198 : i1 to i32
      %sign3A_200 = arith.constant 0 : i32
      %sign3A_201 = arith.cmpi slt, %jit3A_188, %sign3A_200 : i32
      %sign3A_202 = arith.extui %sign3A_201 : i1 to i32
      %sign3A_203 = arith.subi %sign3A_199, %sign3A_202 : i32
      %ne3A_204 = arith.cmpi ne, %sign3A_196, %sign3A_203 : i32
      %rem3A_205 = arith.remsi %select_n3A_185, %jit3A_188 : i32
      %ne3A_206 = arith.constant 0 : i32
      %ne3A_207 = arith.cmpi ne, %rem3A_205, %ne3A_206 : i32
      %and3A_208 = arith.andi %ne3A_204, %ne3A_207 : i1
      %sub3A_209 = arith.constant 1 : i32
      %sub3A_210 = arith.subi %div3A_189, %sub3A_209 : i32
      %select_n3A_211 = arith.select %and3A_208, %sub3A_210, %div3A_189 : i32
      %eq3A_212 = arith.cmpi eq, %select_n3A_211, %select_n3A : i32
      %and3A_213 = arith.andi %lt3A_187, %eq3A_212 : i1
      %select_n3A_214 = arith.select %and3A_213, %select_n3A_185, %multiple_of3A : i32
      %sub3A_215 = arith.subi %select_n3A_214, %multiple_of3A : i32
      %get3A_216 = arith.index_cast %sub3A_215 : i32 to index
      %get3A_217 = arith.constant 0 : index
      %get3A_218 = vector.load %arg7[%get3A_216, %get3A_217] : memref<512x5120xf32, #tpu.memory_space<vmem>>, vector<1x5120xf32>
      %gt3A_219 = arith.constant 0.000000e+00 : f32
      %gt3A_220 = vector.broadcast %gt3A_219 : f32 to vector<1x5120xf32>
      %gt3A_221 = arith.cmpf ogt, %get3A_218, %gt3A_220 : vector<1x5120xf32>
      %gt3A_222 = vector.broadcast %select_n3A_214 : i32 to vector<1x5120xi32>
      %gt3A_223 = arith.cmpi sgt, %iota3A, %gt3A_222 : vector<1x5120xi32>
      %and3A_224 = arith.andi %gt3A_221, %gt3A_223 : vector<1x5120xi1>
      %jit3A_225 = arith.constant 0 : i32
      %broadcast_in_dim3A_226 = vector.broadcast %jit3A_225 : i32 to vector<1x5120xi32>
      %select_n3A_227 = arith.select %and3A_224, %broadcast_in_dim3A_226, %select_n3A_184 : vector<1x5120xi1>, vector<1x5120xi32>
      %gt3A_228 = arith.constant 0 : i32
      %gt3A_229 = vector.broadcast %gt3A_228 : i32 to vector<1x5120xi32>
      %gt3A_230 = arith.cmpi sgt, %select_n3A_227, %gt3A_229 : vector<1x5120xi32>
      %gt3A_231 = vector.broadcast %select_n3A_214 : i32 to vector<1x5120xi32>
      %gt3A_232 = arith.cmpi sgt, %iota3A, %gt3A_231 : vector<1x5120xi32>
      %and3A_233 = arith.andi %gt3A_230, %gt3A_232 : vector<1x5120xi1>
      %lt3A_234 = arith.constant 5000 : i32
      %lt3A_235 = vector.broadcast %lt3A_234 : i32 to vector<1x5120xi32>
      %lt3A_236 = arith.cmpi slt, %iota3A, %lt3A_235 : vector<1x5120xi32>
      %and3A_237 = arith.andi %and3A_233, %lt3A_236 : vector<1x5120xi1>
      %jit3A_238 = arith.constant 5000 : i32
      %broadcast_in_dim3A_239 = vector.broadcast %jit3A_238 : i32 to vector<1x5120xi32>
      %select_n3A_240 = arith.select %and3A_237, %iota3A, %broadcast_in_dim3A_239 : vector<1x5120xi1>, vector<1x5120xi32>
      %reduce_min3A_241 = vector.shape_cast %select_n3A_240 : vector<1x5120xi32> to vector<1x1x5120xi32>
      %reduce_min3A_242 = arith.constant dense<2147483647> : vector<1xi32>
      %reduce_min3A_243 = vector.multi_reduction <minsi>, %reduce_min3A_241, %reduce_min3A_242 [1, 2] : vector<1x1x5120xi32> to vector<1xi32>
      %reduce_min3A_244 = vector.shape_cast %reduce_min3A_243 : vector<1xi32> to vector<1x1x1xi32>
      %reduce_min3A_245 = vector.extract %reduce_min3A_244[0, 0, 0] : i32 from vector<1x1x1xi32>
      %select_n3A_246 = arith.select %and3A_213, %select_n3A_227, %select_n3A_184 : vector<1x5120xi32>
      %select_n3A_247 = arith.select %and3A_213, %reduce_min3A_245, %select_n3A_185 : i32
      %lt3A_248 = arith.constant 5000 : i32
      %lt3A_249 = arith.cmpi slt, %select_n3A_247, %lt3A_248 : i32
      %jit3A_250 = arith.constant 512 : i32
      %div3A_251 = arith.divsi %select_n3A_247, %jit3A_250 : i32
      %sign3A_252 = arith.constant 0 : i32
      %sign3A_253 = arith.cmpi sgt, %select_n3A_247, %sign3A_252 : i32
      %sign3A_254 = arith.extui %sign3A_253 : i1 to i32
      %sign3A_255 = arith.constant 0 : i32
      %sign3A_256 = arith.cmpi slt, %select_n3A_247, %sign3A_255 : i32
      %sign3A_257 = arith.extui %sign3A_256 : i1 to i32
      %sign3A_258 = arith.subi %sign3A_254, %sign3A_257 : i32
      %sign3A_259 = arith.constant 0 : i32
      %sign3A_260 = arith.cmpi sgt, %jit3A_250, %sign3A_259 : i32
      %sign3A_261 = arith.extui %sign3A_260 : i1 to i32
      %sign3A_262 = arith.constant 0 : i32
      %sign3A_263 = arith.cmpi slt, %jit3A_250, %sign3A_262 : i32
      %sign3A_264 = arith.extui %sign3A_263 : i1 to i32
      %sign3A_265 = arith.subi %sign3A_261, %sign3A_264 : i32
      %ne3A_266 = arith.cmpi ne, %sign3A_258, %sign3A_265 : i32
      %rem3A_267 = arith.remsi %select_n3A_247, %jit3A_250 : i32
      %ne3A_268 = arith.constant 0 : i32
      %ne3A_269 = arith.cmpi ne, %rem3A_267, %ne3A_268 : i32
      %and3A_270 = arith.andi %ne3A_266, %ne3A_269 : i1
      %sub3A_271 = arith.constant 1 : i32
      %sub3A_272 = arith.subi %div3A_251, %sub3A_271 : i32
      %select_n3A_273 = arith.select %and3A_270, %sub3A_272, %div3A_251 : i32
      %eq3A_274 = arith.cmpi eq, %select_n3A_273, %select_n3A : i32
      %and3A_275 = arith.andi %lt3A_249, %eq3A_274 : i1
      %select_n3A_276 = arith.select %and3A_275, %select_n3A_247, %multiple_of3A : i32
      %sub3A_277 = arith.subi %select_n3A_276, %multiple_of3A : i32
      %get3A_278 = arith.index_cast %sub3A_277 : i32 to index
      %get3A_279 = arith.constant 0 : index
      %get3A_280 = vector.load %arg7[%get3A_278, %get3A_279] : memref<512x5120xf32, #tpu.memory_space<vmem>>, vector<1x5120xf32>
      %gt3A_281 = arith.constant 0.000000e+00 : f32
      %gt3A_282 = vector.broadcast %gt3A_281 : f32 to vector<1x5120xf32>
      %gt3A_283 = arith.cmpf ogt, %get3A_280, %gt3A_282 : vector<1x5120xf32>
      %gt3A_284 = vector.broadcast %select_n3A_276 : i32 to vector<1x5120xi32>
      %gt3A_285 = arith.cmpi sgt, %iota3A, %gt3A_284 : vector<1x5120xi32>
      %and3A_286 = arith.andi %gt3A_283, %gt3A_285 : vector<1x5120xi1>
      %jit3A_287 = arith.constant 0 : i32
      %broadcast_in_dim3A_288 = vector.broadcast %jit3A_287 : i32 to vector<1x5120xi32>
      %select_n3A_289 = arith.select %and3A_286, %broadcast_in_dim3A_288, %select_n3A_246 : vector<1x5120xi1>, vector<1x5120xi32>
      %gt3A_290 = arith.constant 0 : i32
      %gt3A_291 = vector.broadcast %gt3A_290 : i32 to vector<1x5120xi32>
      %gt3A_292 = arith.cmpi sgt, %select_n3A_289, %gt3A_291 : vector<1x5120xi32>
      %gt3A_293 = vector.broadcast %select_n3A_276 : i32 to vector<1x5120xi32>
      %gt3A_294 = arith.cmpi sgt, %iota3A, %gt3A_293 : vector<1x5120xi32>
      %and3A_295 = arith.andi %gt3A_292, %gt3A_294 : vector<1x5120xi1>
      %lt3A_296 = arith.constant 5000 : i32
      %lt3A_297 = vector.broadcast %lt3A_296 : i32 to vector<1x5120xi32>
      %lt3A_298 = arith.cmpi slt, %iota3A, %lt3A_297 : vector<1x5120xi32>
      %and3A_299 = arith.andi %and3A_295, %lt3A_298 : vector<1x5120xi1>
      %jit3A_300 = arith.constant 5000 : i32
      %broadcast_in_dim3A_301 = vector.broadcast %jit3A_300 : i32 to vector<1x5120xi32>
      %select_n3A_302 = arith.select %and3A_299, %iota3A, %broadcast_in_dim3A_301 : vector<1x5120xi1>, vector<1x5120xi32>
      %reduce_min3A_303 = vector.shape_cast %select_n3A_302 : vector<1x5120xi32> to vector<1x1x5120xi32>
      %reduce_min3A_304 = arith.constant dense<2147483647> : vector<1xi32>
      %reduce_min3A_305 = vector.multi_reduction <minsi>, %reduce_min3A_303, %reduce_min3A_304 [1, 2] : vector<1x1x5120xi32> to vector<1xi32>
      %reduce_min3A_306 = vector.shape_cast %reduce_min3A_305 : vector<1xi32> to vector<1x1x1xi32>
      %reduce_min3A_307 = vector.extract %reduce_min3A_306[0, 0, 0] : i32 from vector<1x1x1xi32>
      %select_n3A_308 = arith.select %and3A_275, %select_n3A_289, %select_n3A_246 : vector<1x5120xi32>
      %select_n3A_309 = arith.select %and3A_275, %reduce_min3A_307, %select_n3A_247 : i32
      %lt3A_310 = arith.constant 5000 : i32
      %lt3A_311 = arith.cmpi slt, %select_n3A_309, %lt3A_310 : i32
      %jit3A_312 = arith.constant 512 : i32
      %div3A_313 = arith.divsi %select_n3A_309, %jit3A_312 : i32
      %sign3A_314 = arith.constant 0 : i32
      %sign3A_315 = arith.cmpi sgt, %select_n3A_309, %sign3A_314 : i32
      %sign3A_316 = arith.extui %sign3A_315 : i1 to i32
      %sign3A_317 = arith.constant 0 : i32
      %sign3A_318 = arith.cmpi slt, %select_n3A_309, %sign3A_317 : i32
      %sign3A_319 = arith.extui %sign3A_318 : i1 to i32
      %sign3A_320 = arith.subi %sign3A_316, %sign3A_319 : i32
      %sign3A_321 = arith.constant 0 : i32
      %sign3A_322 = arith.cmpi sgt, %jit3A_312, %sign3A_321 : i32
      %sign3A_323 = arith.extui %sign3A_322 : i1 to i32
      %sign3A_324 = arith.constant 0 : i32
      %sign3A_325 = arith.cmpi slt, %jit3A_312, %sign3A_324 : i32
      %sign3A_326 = arith.extui %sign3A_325 : i1 to i32
      %sign3A_327 = arith.subi %sign3A_323, %sign3A_326 : i32
      %ne3A_328 = arith.cmpi ne, %sign3A_320, %sign3A_327 : i32
      %rem3A_329 = arith.remsi %select_n3A_309, %jit3A_312 : i32
      %ne3A_330 = arith.constant 0 : i32
      %ne3A_331 = arith.cmpi ne, %rem3A_329, %ne3A_330 : i32
      %and3A_332 = arith.andi %ne3A_328, %ne3A_331 : i1
      %sub3A_333 = arith.constant 1 : i32
      %sub3A_334 = arith.subi %div3A_313, %sub3A_333 : i32
      %select_n3A_335 = arith.select %and3A_332, %sub3A_334, %div3A_313 : i32
      %eq3A_336 = arith.cmpi eq, %select_n3A_335, %select_n3A : i32
      %and3A_337 = arith.andi %lt3A_311, %eq3A_336 : i1
      %select_n3A_338 = arith.select %and3A_337, %select_n3A_309, %multiple_of3A : i32
      %sub3A_339 = arith.subi %select_n3A_338, %multiple_of3A : i32
      %get3A_340 = arith.index_cast %sub3A_339 : i32 to index
      %get3A_341 = arith.constant 0 : index
      %get3A_342 = vector.load %arg7[%get3A_340, %get3A_341] : memref<512x5120xf32, #tpu.memory_space<vmem>>, vector<1x5120xf32>
      %gt3A_343 = arith.constant 0.000000e+00 : f32
      %gt3A_344 = vector.broadcast %gt3A_343 : f32 to vector<1x5120xf32>
      %gt3A_345 = arith.cmpf ogt, %get3A_342, %gt3A_344 : vector<1x5120xf32>
      %gt3A_346 = vector.broadcast %select_n3A_338 : i32 to vector<1x5120xi32>
      %gt3A_347 = arith.cmpi sgt, %iota3A, %gt3A_346 : vector<1x5120xi32>
      %and3A_348 = arith.andi %gt3A_345, %gt3A_347 : vector<1x5120xi1>
      %jit3A_349 = arith.constant 0 : i32
      %broadcast_in_dim3A_350 = vector.broadcast %jit3A_349 : i32 to vector<1x5120xi32>
      %select_n3A_351 = arith.select %and3A_348, %broadcast_in_dim3A_350, %select_n3A_308 : vector<1x5120xi1>, vector<1x5120xi32>
      %gt3A_352 = arith.constant 0 : i32
      %gt3A_353 = vector.broadcast %gt3A_352 : i32 to vector<1x5120xi32>
      %gt3A_354 = arith.cmpi sgt, %select_n3A_351, %gt3A_353 : vector<1x5120xi32>
      %gt3A_355 = vector.broadcast %select_n3A_338 : i32 to vector<1x5120xi32>
      %gt3A_356 = arith.cmpi sgt, %iota3A, %gt3A_355 : vector<1x5120xi32>
      %and3A_357 = arith.andi %gt3A_354, %gt3A_356 : vector<1x5120xi1>
      %lt3A_358 = arith.constant 5000 : i32
      %lt3A_359 = vector.broadcast %lt3A_358 : i32 to vector<1x5120xi32>
      %lt3A_360 = arith.cmpi slt, %iota3A, %lt3A_359 : vector<1x5120xi32>
      %and3A_361 = arith.andi %and3A_357, %lt3A_360 : vector<1x5120xi1>
      %jit3A_362 = arith.constant 5000 : i32
      %broadcast_in_dim3A_363 = vector.broadcast %jit3A_362 : i32 to vector<1x5120xi32>
      %select_n3A_364 = arith.select %and3A_361, %iota3A, %broadcast_in_dim3A_363 : vector<1x5120xi1>, vector<1x5120xi32>
      %reduce_min3A_365 = vector.shape_cast %select_n3A_364 : vector<1x5120xi32> to vector<1x1x5120xi32>
      %reduce_min3A_366 = arith.constant dense<2147483647> : vector<1xi32>
      %reduce_min3A_367 = vector.multi_reduction <minsi>, %reduce_min3A_365, %reduce_min3A_366 [1, 2] : vector<1x1x5120xi32> to vector<1xi32>
      %reduce_min3A_368 = vector.shape_cast %reduce_min3A_367 : vector<1xi32> to vector<1x1x1xi32>
      %reduce_min3A_369 = vector.extract %reduce_min3A_368[0, 0, 0] : i32 from vector<1x1x1xi32>
      %select_n3A_370 = arith.select %and3A_337, %select_n3A_351, %select_n3A_308 : vector<1x5120xi32>
      %select_n3A_371 = arith.select %and3A_337, %reduce_min3A_369, %select_n3A_309 : i32
      %lt3A_372 = arith.constant 5000 : i32
      %lt3A_373 = arith.cmpi slt, %select_n3A_371, %lt3A_372 : i32
      %jit3A_374 = arith.constant 512 : i32
      %div3A_375 = arith.divsi %select_n3A_371, %jit3A_374 : i32
      %sign3A_376 = arith.constant 0 : i32
      %sign3A_377 = arith.cmpi sgt, %select_n3A_371, %sign3A_376 : i32
      %sign3A_378 = arith.extui %sign3A_377 : i1 to i32
      %sign3A_379 = arith.constant 0 : i32
      %sign3A_380 = arith.cmpi slt, %select_n3A_371, %sign3A_379 : i32
      %sign3A_381 = arith.extui %sign3A_380 : i1 to i32
      %sign3A_382 = arith.subi %sign3A_378, %sign3A_381 : i32
      %sign3A_383 = arith.constant 0 : i32
      %sign3A_384 = arith.cmpi sgt, %jit3A_374, %sign3A_383 : i32
      %sign3A_385 = arith.extui %sign3A_384 : i1 to i32
      %sign3A_386 = arith.constant 0 : i32
      %sign3A_387 = arith.cmpi slt, %jit3A_374, %sign3A_386 : i32
      %sign3A_388 = arith.extui %sign3A_387 : i1 to i32
      %sign3A_389 = arith.subi %sign3A_385, %sign3A_388 : i32
      %ne3A_390 = arith.cmpi ne, %sign3A_382, %sign3A_389 : i32
      %rem3A_391 = arith.remsi %select_n3A_371, %jit3A_374 : i32
      %ne3A_392 = arith.constant 0 : i32
      %ne3A_393 = arith.cmpi ne, %rem3A_391, %ne3A_392 : i32
      %and3A_394 = arith.andi %ne3A_390, %ne3A_393 : i1
      %sub3A_395 = arith.constant 1 : i32
      %sub3A_396 = arith.subi %div3A_375, %sub3A_395 : i32
      %select_n3A_397 = arith.select %and3A_394, %sub3A_396, %div3A_375 : i32
      %eq3A_398 = arith.cmpi eq, %select_n3A_397, %select_n3A : i32
      %and3A_399 = arith.andi %lt3A_373, %eq3A_398 : i1
      %select_n3A_400 = arith.select %and3A_399, %select_n3A_371, %multiple_of3A : i32
      %sub3A_401 = arith.subi %select_n3A_400, %multiple_of3A : i32
      %get3A_402 = arith.index_cast %sub3A_401 : i32 to index
      %get3A_403 = arith.constant 0 : index
      %get3A_404 = vector.load %arg7[%get3A_402, %get3A_403] : memref<512x5120xf32, #tpu.memory_space<vmem>>, vector<1x5120xf32>
      %gt3A_405 = arith.constant 0.000000e+00 : f32
      %gt3A_406 = vector.broadcast %gt3A_405 : f32 to vector<1x5120xf32>
      %gt3A_407 = arith.cmpf ogt, %get3A_404, %gt3A_406 : vector<1x5120xf32>
      %gt3A_408 = vector.broadcast %select_n3A_400 : i32 to vector<1x5120xi32>
      %gt3A_409 = arith.cmpi sgt, %iota3A, %gt3A_408 : vector<1x5120xi32>
      %and3A_410 = arith.andi %gt3A_407, %gt3A_409 : vector<1x5120xi1>
      %jit3A_411 = arith.constant 0 : i32
      %broadcast_in_dim3A_412 = vector.broadcast %jit3A_411 : i32 to vector<1x5120xi32>
      %select_n3A_413 = arith.select %and3A_410, %broadcast_in_dim3A_412, %select_n3A_370 : vector<1x5120xi1>, vector<1x5120xi32>
      %gt3A_414 = arith.constant 0 : i32
      %gt3A_415 = vector.broadcast %gt3A_414 : i32 to vector<1x5120xi32>
      %gt3A_416 = arith.cmpi sgt, %select_n3A_413, %gt3A_415 : vector<1x5120xi32>
      %gt3A_417 = vector.broadcast %select_n3A_400 : i32 to vector<1x5120xi32>
      %gt3A_418 = arith.cmpi sgt, %iota3A, %gt3A_417 : vector<1x5120xi32>
      %and3A_419 = arith.andi %gt3A_416, %gt3A_418 : vector<1x5120xi1>
      %lt3A_420 = arith.constant 5000 : i32
      %lt3A_421 = vector.broadcast %lt3A_420 : i32 to vector<1x5120xi32>
      %lt3A_422 = arith.cmpi slt, %iota3A, %lt3A_421 : vector<1x5120xi32>
      %and3A_423 = arith.andi %and3A_419, %lt3A_422 : vector<1x5120xi1>
      %jit3A_424 = arith.constant 5000 : i32
      %broadcast_in_dim3A_425 = vector.broadcast %jit3A_424 : i32 to vector<1x5120xi32>
      %select_n3A_426 = arith.select %and3A_423, %iota3A, %broadcast_in_dim3A_425 : vector<1x5120xi1>, vector<1x5120xi32>
      %reduce_min3A_427 = vector.shape_cast %select_n3A_426 : vector<1x5120xi32> to vector<1x1x5120xi32>
      %reduce_min3A_428 = arith.constant dense<2147483647> : vector<1xi32>
      %reduce_min3A_429 = vector.multi_reduction <minsi>, %reduce_min3A_427, %reduce_min3A_428 [1, 2] : vector<1x1x5120xi32> to vector<1xi32>
      %reduce_min3A_430 = vector.shape_cast %reduce_min3A_429 : vector<1xi32> to vector<1x1x1xi32>
      %reduce_min3A_431 = vector.extract %reduce_min3A_430[0, 0, 0] : i32 from vector<1x1x1xi32>
      %select_n3A_432 = arith.select %and3A_399, %select_n3A_413, %select_n3A_370 : vector<1x5120xi32>
      %select_n3A_433 = arith.select %and3A_399, %reduce_min3A_431, %select_n3A_371 : i32
      %lt3A_434 = arith.constant 5000 : i32
      %lt3A_435 = arith.cmpi slt, %select_n3A_433, %lt3A_434 : i32
      %jit3A_436 = arith.constant 512 : i32
      %div3A_437 = arith.divsi %select_n3A_433, %jit3A_436 : i32
      %sign3A_438 = arith.constant 0 : i32
      %sign3A_439 = arith.cmpi sgt, %select_n3A_433, %sign3A_438 : i32
      %sign3A_440 = arith.extui %sign3A_439 : i1 to i32
      %sign3A_441 = arith.constant 0 : i32
      %sign3A_442 = arith.cmpi slt, %select_n3A_433, %sign3A_441 : i32
      %sign3A_443 = arith.extui %sign3A_442 : i1 to i32
      %sign3A_444 = arith.subi %sign3A_440, %sign3A_443 : i32
      %sign3A_445 = arith.constant 0 : i32
      %sign3A_446 = arith.cmpi sgt, %jit3A_436, %sign3A_445 : i32
      %sign3A_447 = arith.extui %sign3A_446 : i1 to i32
      %sign3A_448 = arith.constant 0 : i32
      %sign3A_449 = arith.cmpi slt, %jit3A_436, %sign3A_448 : i32
      %sign3A_450 = arith.extui %sign3A_449 : i1 to i32
      %sign3A_451 = arith.subi %sign3A_447, %sign3A_450 : i32
      %ne3A_452 = arith.cmpi ne, %sign3A_444, %sign3A_451 : i32
      %rem3A_453 = arith.remsi %select_n3A_433, %jit3A_436 : i32
      %ne3A_454 = arith.constant 0 : i32
      %ne3A_455 = arith.cmpi ne, %rem3A_453, %ne3A_454 : i32
      %and3A_456 = arith.andi %ne3A_452, %ne3A_455 : i1
      %sub3A_457 = arith.constant 1 : i32
      %sub3A_458 = arith.subi %div3A_437, %sub3A_457 : i32
      %select_n3A_459 = arith.select %and3A_456, %sub3A_458, %div3A_437 : i32
      %eq3A_460 = arith.cmpi eq, %select_n3A_459, %select_n3A : i32
      %and3A_461 = arith.andi %lt3A_435, %eq3A_460 : i1
      %select_n3A_462 = arith.select %and3A_461, %select_n3A_433, %multiple_of3A : i32
      %sub3A_463 = arith.subi %select_n3A_462, %multiple_of3A : i32
      %get3A_464 = arith.index_cast %sub3A_463 : i32 to index
      %get3A_465 = arith.constant 0 : index
      %get3A_466 = vector.load %arg7[%get3A_464, %get3A_465] : memref<512x5120xf32, #tpu.memory_space<vmem>>, vector<1x5120xf32>
      %gt3A_467 = arith.constant 0.000000e+00 : f32
      %gt3A_468 = vector.broadcast %gt3A_467 : f32 to vector<1x5120xf32>
      %gt3A_469 = arith.cmpf ogt, %get3A_466, %gt3A_468 : vector<1x5120xf32>
      %gt3A_470 = vector.broadcast %select_n3A_462 : i32 to vector<1x5120xi32>
      %gt3A_471 = arith.cmpi sgt, %iota3A, %gt3A_470 : vector<1x5120xi32>
      %and3A_472 = arith.andi %gt3A_469, %gt3A_471 : vector<1x5120xi1>
      %jit3A_473 = arith.constant 0 : i32
      %broadcast_in_dim3A_474 = vector.broadcast %jit3A_473 : i32 to vector<1x5120xi32>
      %select_n3A_475 = arith.select %and3A_472, %broadcast_in_dim3A_474, %select_n3A_432 : vector<1x5120xi1>, vector<1x5120xi32>
      %gt3A_476 = arith.constant 0 : i32
      %gt3A_477 = vector.broadcast %gt3A_476 : i32 to vector<1x5120xi32>
      %gt3A_478 = arith.cmpi sgt, %select_n3A_475, %gt3A_477 : vector<1x5120xi32>
      %gt3A_479 = vector.broadcast %select_n3A_462 : i32 to vector<1x5120xi32>
      %gt3A_480 = arith.cmpi sgt, %iota3A, %gt3A_479 : vector<1x5120xi32>
      %and3A_481 = arith.andi %gt3A_478, %gt3A_480 : vector<1x5120xi1>
      %lt3A_482 = arith.constant 5000 : i32
      %lt3A_483 = vector.broadcast %lt3A_482 : i32 to vector<1x5120xi32>
      %lt3A_484 = arith.cmpi slt, %iota3A, %lt3A_483 : vector<1x5120xi32>
      %and3A_485 = arith.andi %and3A_481, %lt3A_484 : vector<1x5120xi1>
      %jit3A_486 = arith.constant 5000 : i32
      %broadcast_in_dim3A_487 = vector.broadcast %jit3A_486 : i32 to vector<1x5120xi32>
      %select_n3A_488 = arith.select %and3A_485, %iota3A, %broadcast_in_dim3A_487 : vector<1x5120xi1>, vector<1x5120xi32>
      %reduce_min3A_489 = vector.shape_cast %select_n3A_488 : vector<1x5120xi32> to vector<1x1x5120xi32>
      %reduce_min3A_490 = arith.constant dense<2147483647> : vector<1xi32>
      %reduce_min3A_491 = vector.multi_reduction <minsi>, %reduce_min3A_489, %reduce_min3A_490 [1, 2] : vector<1x1x5120xi32> to vector<1xi32>
      %reduce_min3A_492 = vector.shape_cast %reduce_min3A_491 : vector<1xi32> to vector<1x1x1xi32>
      %reduce_min3A_493 = vector.extract %reduce_min3A_492[0, 0, 0] : i32 from vector<1x1x1xi32>
      %select_n3A_494 = arith.select %and3A_461, %select_n3A_475, %select_n3A_432 : vector<1x5120xi32>
      %select_n3A_495 = arith.select %and3A_461, %reduce_min3A_493, %select_n3A_433 : i32
      %lt3A_496 = arith.constant 5000 : i32
      %lt3A_497 = arith.cmpi slt, %select_n3A_495, %lt3A_496 : i32
      %jit3A_498 = arith.constant 512 : i32
      %div3A_499 = arith.divsi %select_n3A_495, %jit3A_498 : i32
      %sign3A_500 = arith.constant 0 : i32
      %sign3A_501 = arith.cmpi sgt, %select_n3A_495, %sign3A_500 : i32
      %sign3A_502 = arith.extui %sign3A_501 : i1 to i32
      %sign3A_503 = arith.constant 0 : i32
      %sign3A_504 = arith.cmpi slt, %select_n3A_495, %sign3A_503 : i32
      %sign3A_505 = arith.extui %sign3A_504 : i1 to i32
      %sign3A_506 = arith.subi %sign3A_502, %sign3A_505 : i32
      %sign3A_507 = arith.constant 0 : i32
      %sign3A_508 = arith.cmpi sgt, %jit3A_498, %sign3A_507 : i32
      %sign3A_509 = arith.extui %sign3A_508 : i1 to i32
      %sign3A_510 = arith.constant 0 : i32
      %sign3A_511 = arith.cmpi slt, %jit3A_498, %sign3A_510 : i32
      %sign3A_512 = arith.extui %sign3A_511 : i1 to i32
      %sign3A_513 = arith.subi %sign3A_509, %sign3A_512 : i32
      %ne3A_514 = arith.cmpi ne, %sign3A_506, %sign3A_513 : i32
      %rem3A_515 = arith.remsi %select_n3A_495, %jit3A_498 : i32
      %ne3A_516 = arith.constant 0 : i32
      %ne3A_517 = arith.cmpi ne, %rem3A_515, %ne3A_516 : i32
      %and3A_518 = arith.andi %ne3A_514, %ne3A_517 : i1
      %sub3A_519 = arith.constant 1 : i32
      %sub3A_520 = arith.subi %div3A_499, %sub3A_519 : i32
      %select_n3A_521 = arith.select %and3A_518, %sub3A_520, %div3A_499 : i32
      %eq3A_522 = arith.cmpi eq, %select_n3A_521, %select_n3A : i32
      %and3A_523 = arith.andi %lt3A_497, %eq3A_522 : i1
      %select_n3A_524 = arith.select %and3A_523, %select_n3A_495, %multiple_of3A : i32
      %sub3A_525 = arith.subi %select_n3A_524, %multiple_of3A : i32
      %get3A_526 = arith.index_cast %sub3A_525 : i32 to index
      %get3A_527 = arith.constant 0 : index
      %get3A_528 = vector.load %arg7[%get3A_526, %get3A_527] : memref<512x5120xf32, #tpu.memory_space<vmem>>, vector<1x5120xf32>
      %gt3A_529 = arith.constant 0.000000e+00 : f32
      %gt3A_530 = vector.broadcast %gt3A_529 : f32 to vector<1x5120xf32>
      %gt3A_531 = arith.cmpf ogt, %get3A_528, %gt3A_530 : vector<1x5120xf32>
      %gt3A_532 = vector.broadcast %select_n3A_524 : i32 to vector<1x5120xi32>
      %gt3A_533 = arith.cmpi sgt, %iota3A, %gt3A_532 : vector<1x5120xi32>
      %and3A_534 = arith.andi %gt3A_531, %gt3A_533 : vector<1x5120xi1>
      %jit3A_535 = arith.constant 0 : i32
      %broadcast_in_dim3A_536 = vector.broadcast %jit3A_535 : i32 to vector<1x5120xi32>
      %select_n3A_537 = arith.select %and3A_534, %broadcast_in_dim3A_536, %select_n3A_494 : vector<1x5120xi1>, vector<1x5120xi32>
      %gt3A_538 = arith.constant 0 : i32
      %gt3A_539 = vector.broadcast %gt3A_538 : i32 to vector<1x5120xi32>
      %gt3A_540 = arith.cmpi sgt, %select_n3A_537, %gt3A_539 : vector<1x5120xi32>
      %gt3A_541 = vector.broadcast %select_n3A_524 : i32 to vector<1x5120xi32>
      %gt3A_542 = arith.cmpi sgt, %iota3A, %gt3A_541 : vector<1x5120xi32>
      %and3A_543 = arith.andi %gt3A_540, %gt3A_542 : vector<1x5120xi1>
      %lt3A_544 = arith.constant 5000 : i32
      %lt3A_545 = vector.broadcast %lt3A_544 : i32 to vector<1x5120xi32>
      %lt3A_546 = arith.cmpi slt, %iota3A, %lt3A_545 : vector<1x5120xi32>
      %and3A_547 = arith.andi %and3A_543, %lt3A_546 : vector<1x5120xi1>
      %jit3A_548 = arith.constant 5000 : i32
      %broadcast_in_dim3A_549 = vector.broadcast %jit3A_548 : i32 to vector<1x5120xi32>
      %select_n3A_550 = arith.select %and3A_547, %iota3A, %broadcast_in_dim3A_549 : vector<1x5120xi1>, vector<1x5120xi32>
      %reduce_min3A_551 = vector.shape_cast %select_n3A_550 : vector<1x5120xi32> to vector<1x1x5120xi32>
      %reduce_min3A_552 = arith.constant dense<2147483647> : vector<1xi32>
      %reduce_min3A_553 = vector.multi_reduction <minsi>, %reduce_min3A_551, %reduce_min3A_552 [1, 2] : vector<1x1x5120xi32> to vector<1xi32>
      %reduce_min3A_554 = vector.shape_cast %reduce_min3A_553 : vector<1xi32> to vector<1x1x1xi32>
      %reduce_min3A_555 = vector.extract %reduce_min3A_554[0, 0, 0] : i32 from vector<1x1x1xi32>
      %select_n3A_556 = arith.select %and3A_523, %select_n3A_537, %select_n3A_494 : vector<1x5120xi32>
      %select_n3A_557 = arith.select %and3A_523, %reduce_min3A_555, %select_n3A_495 : i32
      %swap3A_558 = arith.constant 0 : index
      %swap3A_559 = arith.constant 0 : index
      %swap3A_560 = vector.load %arg9[%swap3A_558, %swap3A_559] : memref<1x5120xi32, #tpu.memory_space<vmem>>, vector<1x5120xi32>
      tpu.vector_store %arg9[%swap3A_558, %swap3A_559], %select_n3A_556 {strides = array<i32>} : memref<1x5120xi32, #tpu.memory_space<vmem>>, vector<1x5120xi32>,
      scf.yield %select_n3A_557, %select_n3A : i32, i32
    }
    %get3A_48 = arith.constant 0 : index
    %get3A_49 = arith.constant 0 : index
    %get3A_50 = vector.load %arg8[%get3A_48, %get3A_49] : memref<1x5120xi32, #tpu.memory_space<vmem>>, vector<1x5120xi32>
    %get3A_51 = arith.constant 0 : index
    %get3A_52 = arith.constant 0 : index
    %get3A_53 = vector.load %arg9[%get3A_51, %get3A_52] : memref<1x5120xi32, #tpu.memory_space<vmem>>, vector<1x5120xi32>
    %mul3A = arith.muli %get3A_50, %get3A_53 : vector<1x5120xi32>
    %convert_element_type3A_54 = arith.sitofp %mul3A : vector<1x5120xi32> to vector<1x5120xf32>
    %reshape3A = vector.shape_cast %convert_element_type3A_54 : vector<1x5120xf32> to vector<5120x1xf32>
    %get3A_55 = arith.constant 0 : index
    %get3A_56 = arith.constant 0 : index
    %get3A_57 = vector.load %arg4[%get3A_55, %get3A_56] : memref<5120x196xf32, #tpu.memory_space<vmem>>, vector<5120x196xf32>
    %mul3A_58 = vector.broadcast %reshape3A : vector<5120x1xf32> to vector<5120x196xf32>
    %mul3A_59 = arith.mulf %get3A_57, %mul3A_58 : vector<5120x196xf32>
    %swap3A_60 = arith.constant 0 : index
    %swap3A_61 = arith.constant 0 : index
    %swap3A_62 = vector.load %arg4[%swap3A_60, %swap3A_61] : memref<5120x196xf32, #tpu.memory_space<vmem>>, vector<5120x196xf32>
    tpu.vector_store %arg4[%swap3A_60, %swap3A_61], %mul3A_59 {strides = array<i32>} : memref<5120x196xf32, #tpu.memory_space<vmem>>, vector<5120x196xf32>,
    %get3A_63 = arith.constant 0 : index
    %get3A_64 = arith.constant 0 : index
    %get3A_65 = vector.load %arg5[%get3A_63, %get3A_64] : memref<5120x196xf32, #tpu.memory_space<vmem>>, vector<5120x196xf32>
    %mul3A_66 = vector.broadcast %reshape3A : vector<5120x1xf32> to vector<5120x196xf32>
    %mul3A_67 = arith.mulf %get3A_65, %mul3A_66 : vector<5120x196xf32>
    %swap3A_68 = arith.constant 0 : index
    %swap3A_69 = arith.constant 0 : index
    %swap3A_70 = vector.load %arg5[%swap3A_68, %swap3A_69] : memref<5120x196xf32, #tpu.memory_space<vmem>>, vector<5120x196xf32>
    tpu.vector_store %arg5[%swap3A_68, %swap3A_69], %mul3A_67 {strides = array<i32>} : memref<5120x196xf32, #tpu.memory_space<vmem>>, vector<5120x196xf32>,
    return
  }
}

</mosaic_0001>

<sc_bundles>
// kernel: kernel.5.cloned.1.call-start
scs
__scs_entry_jumppad:
0x0: {  	(pc) =	sbr.rel $0x88, $3  }
0x1: {  	(tag) =	ssettag $0x0;
	lr =	simm.s32 $0x1  }
0x2: {  	[smem:$0x3F9D] =	sst lr;
	_ =	strace $0xD0000000  }
0x3: {  	_ = 	snop  }
0x4: {  	_ = 	snop  }
0x5: {  	_ = 	snop  }
0x6: {  	_ = 	snop  }
0x7: {  	_ = 	snop  }
__scs_overlays_trampoline_lowered:
0x8: {  	[smem:$0x3FAC] =	sst s0  }
0x9: {  	[smem:$0x3FAD] =	sst s1  }
0xa: {  	[smem:$0x3FAE] =	sst s2  }
0xb: {  	[smem:$0x3FAF] =	sst s3  }
0xc: {  	[smem:$0x3FB0] =	sst s4  }
0xd: {  	[smem:$0x3FB1] =	sst s5  }
0xe: {  	[smem:$0x3FB2] =	sst s6  }
0xf: {  	[smem:$0x3FB3] =	sst s7  }
0x10: {  	[smem:$0x3FB4] =	sst s8  }
0x11: {  	[smem:$0x3FB5] =	sst s9;
	s0 =	simm.s32 @!p0 $0x0  }
0x12: {  	s1 =	sld [smem:$0x3F9B];
	s0 =	simm.s32 @p0 $0x1  }
0x13: {  	[smem:$0x3FB6] =	sst s0;
	s0 =	simm.s32 @!p1 $0x0  }
0x14: {  	s2 =	sld [smem:$0x3F9A];
	s0 =	simm.s32 @p1 $0x1  }
0x15: {  	[smem:$0x3FB7] =	sst s0;
	s0 =	simm.s32 @!p2 $0x0  }
0x16: {  	s3 =	sld [smem:$0x3FDB];
	s0 =	simm.s32 @p2 $0x1  }
0x17: {  	s4 =	simm.s32 $0x1BF5;
	[smem:$0x3FB9] =	sst s0  }
0x18: {  	s0 =	sld [smem:$0x3F9C];
	_ =	swait.ge [sflag:s4], $0x0  }
0x19: {  	s7 =	sld [smem:$0x3F9D]  }
0x1a: {  	s8 =	sadd.s32 $0xFFFFE003, lr  }
0x1b: {  	s9 =	sadd.s32 $0xFFFFFEF7, lr;
	s5 =	simm.s32 $0xFFFFFFFF;
	p2 =	slt.u32 s8, $0xFFFFF086  }
0x1c: {  	p1 =	slt.u32 s9, $0xF7A;
	s5 =	simm.s32 @!p2 $0x0  }
0x1d: {  	s5 =	simm.s32 @p1 $0x1;
	p0 =	seq.s32 s7, s2  }
0x1e: {  	s7 =	smul.u32 @!p0 $0xF7A, s2;
	p2 =	seq.s32 @!p0 s5, $0x0  }
0x1f: {  	s9 =	smul.u32 $0xF7A, s1;
	s8 =	simm.s32 @!p0 $0x1BF5;
	p2 =	por !p2, p0  }
0x20: {  	[sflag:s8] =	ssyncset.s32 @!p0 $0xFFFFF086;
	s6 =	sadd.s32 @!p0 s3, s7;
	s7 =	simm.s32 @!p0 $0x108  }
0x21: {  	s3 =	sadd.s32 s3, s9;
	s6 =	sadd.s32 @!p0 $0x88, s6;
	s7 =	simm.s32 @p2 $0x1082  }
0x22: {  	[simem:s7], [sflag:s8] =	dma.local @!p0 [hbm:s6], $0xF7A  }
0x23: {  	s9 =	sor.u32 $0xD0000000, s2;
	s6 =	simm.s32 $0x108;
	_ =	swait.ge @!p0 [sflag:s8], $0x0  }
0x24: {  	s3 =	sadd.s32 $0x88, s3;
	s6 =	simm.s32 @!p1 $0x1082;
	[sflag:s4] =	ssyncset.s32 $0xFFFFF086  }
0x25: {  	[simem:s6], [sflag:s4] =	dma.local [hbm:s3], $0xF7A  }
0x26: {  	[smem:$0x3F9D] =	sst s1;
	(tag) =	ssettag s2;
	_ =	strace s9  }
0x27: {  	s1 =	sld [smem:$0x3FAD]  }
0x28: {  	s2 =	sld [smem:$0x3FAE]  }
0x29: {  	s4 =	sld [smem:$0x3FB0]  }
0x2a: {  	p0 =	seq.s32 s5, $0x0;
	s5 =	sld [smem:$0x3FB1]  }
0x2b: {  	s6 =	sld [smem:$0x3FB2]  }
0x2c: {  	s7 =	sld [smem:$0x3FB3]  }
0x2d: {  	s3 =	simm.s32 $0x108;
	s8 =	sld [smem:$0x3FB4]  }
0x2e: {  	s3 =	simm.s32 @!p0 $0x1082;
	s9 =	sld [smem:$0x3FB5]  }
0x2f: {  	lr =	sadd.s32 s0, s3;
	s0 =	sld [smem:$0x3FAC]  }
0x30: {  	s3 =	sld [smem:$0x3FAF]  }
0x31: {  	[smem:$0x3FB8] =	sst s10  }
0x32: {  	s10 =	sld [smem:$0x3FB6];
	_ =	sdelay $0x3  }
0x33: {  	p0 =	seq.s32 s10, $0x1;
	s10 =	sld [smem:$0x3FB8];
	_ =	sdelay $0x3  }
0x34: {  	[smem:$0x3FB8] =	sst s10  }
0x35: {  	s10 =	sld [smem:$0x3FB7];
	_ =	sdelay $0x3  }
0x36: {  	p1 =	seq.s32 s10, $0x1;
	s10 =	sld [smem:$0x3FB8];
	_ =	sdelay $0x3  }
0x37: {  	[smem:$0x3FB8] =	sst s10  }
0x38: {  	s10 =	sld [smem:$0x3FB9]  }
0x39: {  	_ = 	snop;
	(pc) =	sbr.ind lr, $3  }
0x3a: {  	_ = 	snop  }
0x3b: {  	_ = 	snop  }
0x3c: {  	p2 =	seq.s32 s10, $0x1;
	s10 =	sld [smem:$0x3FB8]  }
0x3d: {  	_ =	shalt  }
0x3e: {  	_ =	shalt  }
0x3f: {  	_ =	shalt  }
0x40: {  	_ =	shalt  }
0x41: {  	_ =	shalt  }
0x42: {  	_ =	shalt  }
0x43: {  	_ =	shalt  }
0x44: {  	_ =	shalt  }
0x45: {  	_ =	shalt  }
0x46: {  	_ =	shalt  }
0x47: {  	_ =	shalt  }
0x48: {  	_ =	shalt  }
0x49: {  	_ =	shalt  }
0x4a: {  	_ =	shalt  }
0x4b: {  	_ =	shalt  }
0x4c: {  	_ =	shalt  }
0x4d: {  	_ =	shalt  }
0x4e: {  	_ =	shalt  }
0x4f: {  	_ =	shalt  }
0x50: {  	_ =	shalt  }
0x51: {  	_ =	shalt  }
0x52: {  	_ =	shalt  }
0x53: {  	_ =	shalt  }
0x54: {  	_ =	shalt  }
0x55: {  	_ =	shalt  }
0x56: {  	_ =	shalt  }
0x57: {  	_ =	shalt  }
0x58: {  	_ =	shalt  }
0x59: {  	_ =	shalt  }
0x5a: {  	_ =	shalt  }
0x5b: {  	_ =	shalt  }
0x5c: {  	_ =	shalt  }
0x5d: {  	_ =	shalt  }
0x5e: {  	_ =	shalt  }
0x5f: {  	_ =	shalt  }
0x60: {  	_ =	shalt  }
0x61: {  	_ =	shalt  }
0x62: {  	_ =	shalt  }
0x63: {  	_ =	shalt  }
0x64: {  	_ =	shalt  }
0x65: {  	_ =	shalt  }
0x66: {  	_ =	shalt  }
0x67: {  	_ =	shalt  }
0x68: {  	_ =	shalt  }
0x69: {  	_ =	shalt  }
0x6a: {  	_ =	shalt  }
0x6b: {  	_ =	shalt  }
0x6c: {  	_ =	shalt  }
0x6d: {  	_ =	shalt  }
0x6e: {  	_ =	shalt  }
0x6f: {  	_ =	shalt  }
0x70: {  	_ =	shalt  }
0x71: {  	_ =	shalt  }
0x72: {  	_ =	shalt  }
0x73: {  	_ =	shalt  }
0x74: {  	_ =	shalt  }
0x75: {  	_ =	shalt  }
0x76: {  	_ =	shalt  }
0x77: {  	_ =	shalt  }
0x78: {  	_ =	shalt  }
0x79: {  	_ =	shalt  }
0x7a: {  	_ =	shalt  }
0x7b: {  	_ =	shalt  }
0x7c: {  	_ =	shalt  }
0x7d: {  	_ =	shalt  }
0x7e: {  	_ =	shalt  }
0x7f: {  	_ =	shalt  }
0x80: {  	_ =	shalt  }
0x81: {  	_ =	shalt  }
0x82: {  	_ =	shalt  }
0x83: {  	_ =	shalt  }
0x84: {  	_ =	shalt  }
0x85: {  	_ =	shalt  }
0x86: {  	_ =	shalt  }
0x87: {  	_ =	shalt  }
.Lfunc_end0:
.L_simem_size_0:
called_computation_lowered:
.L_overlay_start_0:
0x88: {  	s2 =	sld [smem:$0x3FD9]  }
0x89: {  	s3 =	sld [smem:$0x3FFE];
	_ =	sdelay $0x1  }
0x8a: {  	s1 =	srdreg.scid  }
0x8b: {  	s0 =	sand.u32 $0x1, s1  }
0x8c: {  	s17 =	sshll.u32 s0, $0xA;
	s2 =	sadd.s32 s3, s2  }
0x8d: {  	s2 =	sadd.s32 s2, s17  }
0x8e: {  	[smem:$0x3FC4] =	sst s2  }
0x8f: {  	_ = 	snop  }
0x90: {  	s2 =	sld [smem:$0x3FD0];
	(tm) =	ssettm $0x1  }
0x91: {  	s18 =	sld [smem:$0x3FFB];
	_ =	sdelay $0x3  }
0x92: {  	_ =	strace s18  }
0x93: {  	s3 =	sld [smem:$0x3FFC];
	_ =	sdelay $0x3  }
0x94: {  	_ =	strace s3  }
0x95: {  	s3 =	sld [smem:$0x3FFD];
	_ =	sdelay $0x3  }
0x96: {  	_ =	strace s3  }
0x97: {  	_ =	strace $0x8FFFFFFF  }
0x98: {  	s19 =	sld [smem:$0x3FDB];
	_ =	sdelay $0x1  }
0x99: {  	s4 =	simm.s32 $_scs_section_size  }
0x9a: {  	s5 =	simm.s32 $_size__tile_overlayer_lowered;
	s6 =	simm.s32 $_tile_overlayer_lowered  }
0x9b: {  	s22 =	simm.s32 $0x1BFF;
	s21 =	sshll.u32 s6, $0x1;
	s3 =	sadd.s32 s4, s19  }
0x9c: {  	s7 =	simm.s32 $0x0;
	s20 =	sshll.u32 s5, $0x1;
	s5 =	sadd.s32 s21, s3  }
0x9d: {  	[timem:s7], [sflag:s22] =	dma.local [hbm:s5], s20  }
0x9e: {  	_ =	swait.ge [sflag:s22], s20  }
0x9f: {  	s4 =	ssub.s32 $0x0, s20;
	[sflag:s22] =	ssyncset.done $0x0  }
0xa0: {  	[sflag:s22] =	ssyncadd.s32 s4;
	_ =	sdelay $0x1  }
0xa1: {  	s23 =	simm.s32 $0x1B8B  }
0xa2: {  	_ =	swait.ge [sflag:s23], $0x1  }
0xa3: {  	[sflag:s23] =	ssyncset.done $0x0  }
0xa4: {  	s25 =	simm.s32 $0x1B8E;
	s24 =	sld [smem:$0x3FFE];
	[sflag:s23] =	ssyncadd.s32 $0xFFFFFFFF  }
0xa5: {  	s26 =	simm.s32 $execute0_lowered;
	[smem:$0x3FD2] =	sst s25  }
0xa6: {  	s5 =	sshll.u32 s26, $0x1;
	_ =	strace $0x80000046;
	[dreg:$0x1] =	wrdreg $0xFFFFFFFF  }
0xa7: {  	s28 =	simm.s32 $_size_execute0_lowered;
	s3 =	sadd.s32 s3, s5;
	[dreg:$0x0] =	wrdreg $0x0  }
0xa8: {  	s5 =	sshll.u32 s28, $0x1;
	[dreg:$0x2] =	wrdreg s3  }
0xa9: {  	[dreg:$0x3] =	wrdreg s5  }
0xaa: {  	[dreg:$0x4] =	wrdreg $0xC0  }
0xab: {  	_ =	task [dreg:s7], $0x5FFFF  }
0xac: {  	[dreg:$0x1] =	wrdreg $0xFFFFFFFF  }
0xad: {  	[dreg:$0x0] =	wrdreg $0x60  }
0xae: {  	[dreg:$0x2] =	wrdreg s2  }
0xaf: {  	[dreg:$0x3] =	wrdreg s24  }
0xb0: {  	[dreg:$0x4] =	wrdreg $0x9  }
0xb1: {  	_ =	task.clear_ibuf [dreg:s7], $0x5FFFF;
	_ =	strace $0x90000046  }
0xb2: {  	s29 =	simm.s32 $0x9;
	_ =	strace $0x80000048  }
0xb3: {  	_ =	swait.ge [sflag:s29], $0x1  }
0xb4: {  	[sflag:s29] =	ssyncadd.s32 $0xFFFFFFFF  }
0xb5: {  	_ =	strace $0x90000048  }
0xb6: {  	_ =	sfence  }
0xb7: {  	s30 =	sld [smem:$0x0];
	_ =	sdelay $0x2  }
0xb8: {  	s31 =	sshll.u32 s1, $0xD;
	s1 =	sshrl.u32 s1, $0x2  }
0xb9: {  	s3 =	sand.u32 $0x4000, s31;
	s1 =	sadd.s32 s1, s30  }
0xba: {  	s0 =	sor.u32 s3, s0;
	s1 =	sshll.u32 s1, $0x11  }
0xbb: {  	s0 =	sor.u32 s1, s0  }
0xbc: {  	s0 =	sadd.s32 $0x8F2B, s0  }
0xbd: {  	[sflag:s0] =	ssyncadd.remote.s32 $0x1  }
0xbe: {  	_ =	sfence.sel $0xFFFF  }
0xbf: {  	[dreg:$0x0] =	wrdreg $0xFFFFFFFF;
	(pc) =	sbr.abs _section_cstart, $3  }
0xc0: {  	[dreg:$0x1] =	wrdreg $0xFFFFFFFF  }
0xc1: {  	_ =	task.clear_ibuf [dreg:s7], $0x2FFFF;
	_ =	strace $0x9FFFFFFF  }
0xc2: {  	(tm) =	ssettm $0x7FFFFFFF  }
0xc3: {  	_ =	shalt  }
tec
execute0_lowered:
.L_overlay_start_1:
0x0: {  	(tag) =	ssettag $0x1  }
0x1: {  	s2 =	rddreg [dreg:$0x0]  }
0x2: {  	s1 =	srdreg.scid;
	s0 =	stileid.u32  }
0x3: {  	s5 =	rddreg [dreg:$0x1];
	s3 =	simm.s32 $0x0;
	s10 =	simm.s32 $0x1  }
0x4: {  	s11 =	simm.s32 $0x100;
	s4 =	sand.u32 $0x1, s1;
	s6 =	sshll.u32 s0, $0x1  }
0x5: {  	s12 =	simm.s32 $0xA100;
	s13 =	simm.s32 $0x0;
	s6 =	sor.u32 s4, s6  }
0x6: {  	s1 =	rddreg [dreg:$0x2];
	s8 =	ssub.s32 $0x2, s4;
	s7 =	smul.u32 $0x1400, s6  }
0x7: {  	[smem:$0x7FF] =	sst s3;
	s9 =	sshrl.u32 s8, $0x1;
	s6 =	smul.u32 $0x14, s6  }
0x8: {  	_ =	strace $0x80000047;
	s4 =	sadd.s32 $0x400, s5;
	s8 =	ssub.s32 s8, s9  }
0x9: {  	s9 =	simm.s32 $0x2;
	s7 =	sadd.s32 s7, s5;
	s5 =	sadd.s32 s5, s6  }
0xa: {  	s8 =	smax.u32 s8, $0x1;
	s6 =	sadd.s32 $0x28400, s7;
	s7 =	sadd.s32 $0x50400, s7  }
.LBB2_1:
0xb: {  	[tilespmem:s3], [sflag:$0x2] =	stream.linear.gather [hbm4b:s5+s3], $0xA0, $0x38;
	[tilespmem:$0x14100] =	vst v63  }
0xc: {  	_ =	swait.ge [sflag:s9], $0xA0  }
0xd: {  	[sflag:s9] =	ssyncset.done $0x0  }
0xe: {  	[sflag:s9] =	ssyncadd.s32 $0xFFFFFF60  }
0xf: {  	v0 =	vld [tilespmem:s3+$0x0];
	_ =	sdelay $0x4  }
0x10: {  	(v2sf) =	vpush v0, $0x0;
	_ =	sdelay $0xe  }
0x11: {  	s14 =	spop (v2sf)  }
0x12: {  	s16 =	sand.u32 $0xF800, s3;
	s15 =	sshll.u32 s14, $0x8;
	s14 =	sshll.u32 s14, $0x7  }
0x13: {  	s17 =	sand.u32 $0x380, s3;
	s15 =	sand.u32 $0xFFFFF800, s15;
	s14 =	sand.u32 $0x380, s14  }
0x14: {  	s16 =	sor.u32 s17, s16;
	s14 =	sor.u32 s14, s15  }
0x15: {  	s17 =	sadd.s32 $0x100, s16;
	s29 =	sadd.s32 $0x500, s16;
	s14 =	sshrl.u32 s14, $0x3  }
0x16: {  	s31 =	sadd.s32 $0xA100, s16;
	s18 =	sadd.s32 $0xA500, s16;
	s28 =	sadd.s32 s2, s14  }
0x17: {  	[tilespmem:s17], [sflag:$0x1] =	stream.linear.gather [hbm4b:s28+s3], $0x80, $0x38;
	[tilespmem:$0x14100] =	vst v63  }
0x18: {  	s16 =	simm.s32 $0x80;
	s30 =	sadd.s32 s4, s14;
	s15 =	sadd.s32 $0x80, s28  }
0x19: {  	[tilespmem:s29], [sflag:$0x1] =	stream.linear.gather [hbm4b:s15+s3], $0x80, $0x38;
	[tilespmem:$0x14100] =	vst v63  }
0x1a: {  	s14 =	simm.s32 $0x100;
	s17 =	sadd.s32 $0x80, s30;
	s15 =	simm.s32 $0x1  }
0x1b: {  	[tilespmem:s31], [sflag:$0x1] =	stream.linear.gather [hbm4b:s30+s3], $0x80, $0x38;
	[tilespmem:$0x14100] =	vst v63  }
.LBB2_2:
0x1c: {  	[tilespmem:s18], [sflag:$0x1] =	stream.linear.gather [hbm4b:s17+s3], $0x80, $0x38;
	[tilespmem:$0x14100] =	vst v63  }
0x1d: {  	p0 =	sne.s32 s14, $0x9F00;
	s17 =	smov.u32 s14;
	s14 =	sadd.s32 $0x100, s14;
	v0 =	vld [tilespmem:s15+$0x0]  }
0x1e: {  	_ =	sdelay $0x3  }
0x1f: {  	(v2sf) =	vpush v0, $0x0;
	_ =	sdelay $0xe  }
0x20: {  	s18 =	spop (v2sf)  }
0x21: {  	s19 =	sshll.u32 s18, $0x8;
	s18 =	sshll.u32 s18, $0x7  }
0x22: {  	s19 =	sand.u32 $0xFFFFF800, s19;
	s18 =	sand.u32 $0x380, s18  }
0x23: {  	s20 =	sand.u32 $0x380, s16;
	s17 =	sand.u32 $0xF800, s17;
	s18 =	sor.u32 s18, s19  }
0x24: {  	s19 =	sor.u32 s20, s17;
	s17 =	sshrl.u32 s18, $0x3  }
0x25: {  	s20 =	sadd.s32 $0x100, s19;
	s18 =	sadd.s32 s2, s17  }
0x26: {  	[tilespmem:s20], [sflag:$0x1] =	stream.linear.gather [hbm4b:s18+s3], $0x80, $0x38;
	[tilespmem:$0x14100] =	vst v63  }
.Ltmp0:
0x27: {  	s18 =	sadd.s32 $0x80, s18;
	s20 =	sadd.s32 $0x500, s19;
	(pc) =	sbr.rel @p0 .LBB2_2-.Ltmp0, $4  }
0x28: {  	[tilespmem:s20], [sflag:$0x1] =	stream.linear.gather [hbm4b:s18+s3], $0x80, $0x38;
	[tilespmem:$0x14100] =	vst v63  }
0x29: {  	s15 =	sadd.s32 $0x1, s15;
	s17 =	sadd.s32 s4, s17;
	s18 =	sadd.s32 $0xA100, s19  }
0x2a: {  	[tilespmem:s18], [sflag:$0x1] =	stream.linear.gather [hbm4b:s17+s3], $0x80, $0x38;
	[tilespmem:$0x14100] =	vst v63  }
0x2b: {  	s16 =	sadd.s32 $0x80, s16;
	s17 =	sadd.s32 $0x80, s17;
	s18 =	sadd.s32 $0xA500, s19  }
0x2c: {  	[tilespmem:s18], [sflag:$0x1] =	stream.linear.gather [hbm4b:s17+s3], $0x80, $0x38;
	[tilespmem:$0x14100] =	vst v63  }
0x2d: {  	_ =	swait.ge [sflag:s10], $0xA000  }
0x2e: {  	[sflag:s10] =	ssyncset.done $0x0  }
0x2f: {  	[sflag:s10] =	ssyncadd.s32 $0xFFFF6000  }
0x30: {  	_ =	swait.ge [sflag:s10], $0xA000  }
0x31: {  	[sflag:s10] =	ssyncset.done $0x0  }
0x32: {  	[sflag:s10] =	ssyncadd.s32 $0xFFFF6000  }
0x33: {  	[hbm4b:s6+s3] =	stream.linear.scatter [tilespmem:s11], [sflag:$0x2], $0xA000, $0x38;
	[tilespmem:$0x14100] =	vst v63  }
0x34: {  	s13 =	sadd.s32 $0x1, s13;
	_ =	swait.ge [sflag:s9], $0xA000  }
0x35: {  	p0 =	sne.s32 s13, s8;
	[sflag:s9] =	ssyncset.done $0x0  }
.Ltmp1:
0x36: {  	[sflag:s9] =	ssyncadd.s32 $0xFFFF6000;
	(pc) =	sbr.rel @p0 .LBB2_1-.Ltmp1, $4  }
0x37: {  	[hbm4b:s7+s3] =	stream.linear.scatter [tilespmem:s12], [sflag:$0x2], $0xA000, $0x38;
	[tilespmem:$0x14100] =	vst v63  }
0x38: {  	_ =	swait.ge [sflag:s9], $0xA000  }
0x39: {  	[sflag:s9] =	ssyncset.done $0x0  }
0x3a: {  	[sflag:s9] =	ssyncadd.s32 $0xFFFF6000  }
0x3b: {  	_ =	sfence.sel $0x180000  }
0x3c: {  	[bflag:$0x0] =	sbarrier.arrive $0xFFFF  }
0x3d: {  	p0 =	sne.s32 s0, $0x0;
	_ =	strace $0x90000047  }
0x3e: {  	s0 =	sadd.s32 @!p0 $0x100000, s1;
	[bflag:$0x2] =	sbarrier.arrive $0xFFFF  }
0x3f: {  	[sflag:s0] =	ssyncadd.tile.s32 @!p0 $0x1;
	_ =	shalt  }
.Lfunc_end2:
_tile_overlayer_lowered:
.L_overlay_start_2:
0x40: {  	(tag) =	ssettag $0x2  }
0x41: {  	s0 =	rddreg [dreg:$0x0];
	s2 =	stileid.u32  }
0x42: {  	s1 =	rddreg [dreg:$0x1];
	p0 =	sne.s32 s2, $0x0  }
0x43: {  	s3 =	rddreg [dreg:$0x2];
	[bflag:$0x3] =	sbarrier.arrive $0xFFFF;
	s2 =	simm.s32 @!p0 $0x1C02  }
0x44: {  	[timem:s3], [sflag:s2] =	dma.local @!p0 [hbm:s0], s1  }
0x45: {  	s0 =	simm.s32 @!p0 $0x2  }
0x46: {  	_ =	swait.ge @!p0 [sflag:s0], s1  }
0x47: {  	s1 =	ssub.s32 @!p0 $0x0, s1;
	[sflag:s0] =	ssyncset.done @!p0 $0x0  }
0x48: {  	[sflag:s0] =	ssyncadd.s32 @!p0 s1  }
0x49: {  	[bflag:$0x3] =	sbarrier.arrive $0xFFFF  }
0x4a: {  	_ =	shalt  }

</sc_bundles>
